<compile_context>
chip_gen: v7x
topology: tpu7x:2x2x1
jax: 0.10.2.dev20260603
libtpu: 0.0.44.dev20260713+nightly
codegen_flags: <defaults>
</compile_context>

<pallas_src>
import functools

import jax
import jax.numpy as jnp
import numpy as np
from jax import lax
from jax.experimental import pallas as pl
from jax.experimental.pallas import tpu as pltpu
from jax.experimental.pallas import tpu_sc as plsc

N_NODES = 10000
N_EDGES = 320000
D = 128
DW = 144

NC = 2
NS = 16
NW = NC * NS

K = 112
IB = 4
NCHUNK = 92
NBLK = NCHUNK // IB
EPW = NCHUNK * K
EPAD = EPW * NW
NPAD = 10240
RPT = NPAD // NS

_mesh = plsc.VectorSubcoreMesh(core_axis_name="c", subcore_axis_name="s")


def _make_seg_sum(width):

    @functools.partial(
        pl.kernel,
        mesh=_mesh,
        out_type=jax.ShapeDtypeStruct((NC, NPAD, width), jnp.float32),
        scratch_types=[
            pltpu.VMEM_SHARED((NPAD, width), jnp.float32),
            pltpu.VMEM((2, IB, K), jnp.int32),
            pltpu.VMEM((2, IB, K), jnp.int32),
            pltpu.VMEM((2, K, width), jnp.float32),
            pltpu.VMEM((16, width), jnp.float32),
            pltpu.SemaphoreType.DMA,
            pltpu.SemaphoreType.DMA,
            pltpu.SemaphoreType.DMA,
        ],
        compiler_params=pltpu.CompilerParams(use_tc_tiling_on_sc=False),
    )
    def seg_sum(src_hbm, dst_hbm, tab_hbm, agg_out,
                acc, sidx, didx, rows, zblk, gsem, ssem, isem):
        c = lax.axis_index("c")
        s = lax.axis_index("s")
        wid = c * NS + s

        zero16 = jnp.zeros((16,), jnp.float32)

        def init_zrow(r, _):
            for j in range(width // 16):
                zblk[r, pl.ds(j * 16, 16)] = zero16
            return 0

        lax.fori_loop(0, 16, init_zrow, 0)

        base_r = s * RPT

        def zero_chunk(i, _):
            pltpu.sync_copy(zblk, acc.at[pl.ds(base_r + i * 16, 16)])
            return 0

        lax.fori_loop(0, RPT // 16, zero_chunk, 0)
        plsc.subcore_barrier()

        base_b = wid * NCHUNK

        def idx_start(blk, slot):
            pltpu.async_copy(src_hbm.at[pl.ds(base_b + blk * IB, IB)],
                             sidx.at[slot], isem)
            pltpu.async_copy(dst_hbm.at[pl.ds(base_b + blk * IB, IB)],
                             didx.at[slot], isem)

        def idx_wait(blk, slot):
            pltpu.make_async_copy(src_hbm.at[pl.ds(base_b + blk * IB, IB)],
                                  sidx.at[slot], isem).wait()
            pltpu.make_async_copy(dst_hbm.at[pl.ds(base_b + blk * IB, IB)],
                                  didx.at[slot], isem).wait()

        idx_start(0, 0)
        idx_wait(0, 0)
        pltpu.async_copy(tab_hbm.at[sidx.at[0, 0]], rows.at[0], gsem)

        def blk(g, _):
            slot = lax.rem(g, 2)
            nslot = 1 - slot
            for i in range(IB):
                b = i % 2
                pltpu.make_async_copy(
                    tab_hbm.at[sidx.at[slot, i]], rows.at[b], gsem).wait()
                if i > 0:
                    pltpu.make_async_copy(
                        rows.at[1 - b], acc.at[didx.at[slot, i - 1]],
                        ssem).wait()
                else:
                    @pl.when(g > 0)
                    def _():
                        pltpu.make_async_copy(
                            rows.at[1 - b], acc.at[didx.at[nslot, IB - 1]],
                            ssem).wait()

                    @pl.when(g + 1 < NBLK)
                    def _():
                        idx_start(g + 1, nslot)

                if i == IB - 2:
                    @pl.when(g + 1 < NBLK)
                    def _():
                        idx_wait(g + 1, nslot)

                if i < IB - 1:
                    pltpu.async_copy(tab_hbm.at[sidx.at[slot, i + 1]],
                                     rows.at[1 - b], gsem)
                else:
                    @pl.when(g + 1 < NBLK)
                    def _():
                        pltpu.async_copy(tab_hbm.at[sidx.at[nslot, 0]],
                                         rows.at[1 - b], gsem)

                pltpu.async_copy(rows.at[b], acc.at[didx.at[slot, i]],
                                 ssem, add=True)
            return 0

        lax.fori_loop(0, NBLK, blk, 0)
        pltpu.make_async_copy(
            rows.at[(IB - 1) % 2],
            acc.at[didx.at[(NBLK - 1) % 2, IB - 1]], ssem).wait()
        plsc.subcore_barrier()

        pltpu.sync_copy(acc.at[pl.ds(base_r, RPT)],
                        agg_out.at[c, pl.ds(base_r, RPT)])

    return seg_sum


_seg_sum_aug = _make_seg_sum(DW)
_seg_sum = _make_seg_sum(D)



_RB = 1000
_NB = N_NODES // _RB


def _sage_body(x_ref, a_ref, ws_ref, wn_ref, b_ref, o_ref):
    deg = jnp.maximum(a_ref[0, :, D:D + 1] + a_ref[1, :, D:D + 1], 1.0)
    mean = (a_ref[0, :, :D] + a_ref[1, :, :D]) / deg
    h = (jnp.dot(x_ref[...], ws_ref[...], preferred_element_type=jnp.float32, precision=lax.Precision.HIGHEST)
         + jnp.dot(mean, wn_ref[...], preferred_element_type=jnp.float32, precision=lax.Precision.HIGHEST)
         + b_ref[...])
    o_ref[...] = jnp.maximum(h, 0.0)


def _sage_dense(x, aggp, Ws, Wn, b):
    return pl.pallas_call(
        _sage_body,
        grid=(_NB,),
        in_specs=[
            pl.BlockSpec((_RB, D), lambda i: (i, 0)),
            pl.BlockSpec((NC, _RB, DW), lambda i: (0, i, 0)),
            pl.BlockSpec((D, D), lambda i: (0, 0)),
            pl.BlockSpec((D, D), lambda i: (0, 0)),
            pl.BlockSpec((1, D), lambda i: (0, 0)),
        ],
        out_specs=pl.BlockSpec((_RB, D), lambda i: (i, 0)),
        out_shape=jax.ShapeDtypeStruct((N_NODES, D), jnp.float32),
    )(x, aggp, Ws, Wn, b)



def _head_body(x_ref, a_ref, d_ref, ws_ref, wn_ref, b_ref,
               f1_ref, f1b_ref, f2_ref, f2b_ref, f3_ref, f3b_ref,
               o_ref, acc_ref):
    i = pl.program_id(0)
    deg = jnp.maximum(d_ref[0, :, D:D + 1] + d_ref[1, :, D:D + 1], 1.0)
    mean = (a_ref[0] + a_ref[1]) / deg
    h = (jnp.dot(x_ref[...], ws_ref[...], preferred_element_type=jnp.float32, precision=lax.Precision.HIGHEST)
         + jnp.dot(mean, wn_ref[...], preferred_element_type=jnp.float32, precision=lax.Precision.HIGHEST)
         + b_ref[...])
    h = jnp.maximum(h, 0.0)

    @pl.when(i == 0)
    def _():
        acc_ref[...] = jnp.zeros_like(acc_ref)

    acc_ref[...] += jnp.sum(h, axis=0, keepdims=True)

    @pl.when(i == _NB - 1)
    def _():
        pooled = acc_ref[...] * (1.0 / N_NODES)
        z = jnp.clip(
            jnp.dot(pooled, f1_ref[...], preferred_element_type=jnp.float32, precision=lax.Precision.HIGHEST)
            + f1b_ref[...], 0.0, 6.0)
        z = jnp.clip(
            jnp.dot(z, f2_ref[...], preferred_element_type=jnp.float32, precision=lax.Precision.HIGHEST)
            + f2b_ref[...], 0.0, 6.0)
        o_ref[...] = (jnp.dot(z, f3_ref[...], preferred_element_type=jnp.float32, precision=lax.Precision.HIGHEST)
                      + f3b_ref[...])


def _head_dense(x, aggp, degp, Ws, Wn, b, f1, f1b, f2, f2b, f3, f3b):
    wspec = pl.BlockSpec((D, D), lambda i: (0, 0))
    bspec = pl.BlockSpec((1, D), lambda i: (0, 0))
    return pl.pallas_call(
        _head_body,
        grid=(_NB,),
        in_specs=[
            pl.BlockSpec((_RB, D), lambda i: (i, 0)),
            pl.BlockSpec((NC, _RB, D), lambda i: (0, i, 0)),
            pl.BlockSpec((NC, _RB, DW), lambda i: (0, i, 0)),
            wspec, wspec, bspec,
            wspec, bspec, wspec, bspec, wspec, bspec,
        ],
        out_specs=pl.BlockSpec((1, D), lambda i: (0, 0)),
        out_shape=jax.ShapeDtypeStruct((1, D), jnp.float32),
        scratch_shapes=[pltpu.VMEM((1, D), jnp.float32)],
    )(x, aggp, degp, Ws, Wn, b, f1, f1b, f2, f2b, f3, f3b)


def _pad_w(w):
    out = jnp.zeros((D, D), jnp.float32)
    return lax.dynamic_update_slice(out, w, (0, 0))


def _pad_b(b):
    out = jnp.zeros((1, D), jnp.float32)
    return lax.dynamic_update_slice(out, b[None, :], (0, 0))


def kernel(x, edge_index, W1_self, W1_neigh, b1, W2_self, W2_neigh, b2,
           fc1_w, fc1_b, fc2_w, fc2_b, fc3_w, fc3_b):
    npad = EPAD - N_EDGES
    pad_src = (np.arange(npad, dtype=np.int32) * 37) % N_NODES
    pad_dst = N_NODES + (np.arange(npad, dtype=np.int32) % (NPAD - N_NODES))
    src = jnp.concatenate([edge_index[0],
                           jnp.asarray(pad_src)]).reshape(NW * NCHUNK, K)
    dst = jnp.concatenate([edge_index[1],
                           jnp.asarray(pad_dst)]).reshape(NW * NCHUNK, K)

    xa = jnp.concatenate(
        [x, jnp.ones((N_NODES, 1), jnp.float32),
         jnp.zeros((N_NODES, DW - D - 1), jnp.float32)], axis=1)

    aggp1 = _seg_sum_aug(src, dst, xa)
    h1 = _sage_dense(x, aggp1, W1_self, W1_neigh, b1[None, :])
    aggp2 = _seg_sum(src, dst, h1)
    out = _head_dense(
        h1, aggp2, aggp1, W2_self, W2_neigh, b2[None, :],
        _pad_w(fc1_w), _pad_b(fc1_b),
        _pad_w(fc2_w), _pad_b(fc2_b),
        _pad_w(fc3_w), _pad_b(fc3_b),
    )
    return out[:, :1]

# --- scband reference (transcript-rebuilt; emitter-appended) ---
"""Pipeline reference for scband-graph-rank-net-19920058318950 (READ-ONLY COPY).

The authoritative reference and input builder live on the scoring server;
editing this copy changes nothing except your own understanding.
"""

import jax, jax.numpy as jnp
import numpy as np

N_NODES = 10000
N_EDGES = 320000
D_FEAT = 128
HIDDEN = 128


def setup_inputs(seed: int = 0) -> dict:
    key = jax.random.key(seed)
    ks = jax.random.split(key, 20)
    x = jax.random.normal(ks[0], (N_NODES, D_FEAT), dtype=jnp.float32)
    edge_index = jax.random.randint(ks[1], (2, N_EDGES), 0, N_NODES, dtype=jnp.int32)
    s = 1.0 / np.sqrt(D_FEAT)
    W1_self = jax.random.normal(ks[2], (D_FEAT, HIDDEN), dtype=jnp.float32) * s
    W1_neigh = jax.random.normal(ks[3], (D_FEAT, HIDDEN), dtype=jnp.float32) * s
    b1 = jnp.zeros((HIDDEN,), dtype=jnp.float32)
    W2_self = jax.random.normal(ks[4], (HIDDEN, HIDDEN), dtype=jnp.float32) * s
    W2_neigh = jax.random.normal(ks[5], (HIDDEN, HIDDEN), dtype=jnp.float32) * s
    b2 = jnp.zeros((HIDDEN,), dtype=jnp.float32)
    in_sz = HIDDEN  # flat output of AvgPooling over the last SAGE layer
    fc1_w = jax.random.normal(ks[6], (in_sz, in_sz // 2), dtype=jnp.float32) * (1.0 / np.sqrt(in_sz))
    fc1_b = jnp.zeros((in_sz // 2,), dtype=jnp.float32)
    fc2_w = jax.random.normal(ks[7], (in_sz // 2, in_sz // 4), dtype=jnp.float32) * (1.0 / np.sqrt(in_sz // 2))
    fc2_b = jnp.zeros((in_sz // 4,), dtype=jnp.float32)
    fc3_w = jax.random.normal(ks[8], (in_sz // 4, 1), dtype=jnp.float32) * (1.0 / np.sqrt(in_sz // 4))
    fc3_b = jnp.zeros((1,), dtype=jnp.float32)
    return {
        "x": x, "edge_index": edge_index,
        "W1_self": W1_self, "W1_neigh": W1_neigh, "b1": b1,
        "W2_self": W2_self, "W2_neigh": W2_neigh, "b2": b2,
        "fc1_w": fc1_w, "fc1_b": fc1_b,
        "fc2_w": fc2_w, "fc2_b": fc2_b,
        "fc3_w": fc3_w, "fc3_b": fc3_b,
    }


def _sage_conv(h, src, dst, W_self, W_neigh, b, num_nodes):
    # DGL-style SAGEConv with mean aggregator:
    #   h_out = fc_self(h) + fc_neigh(mean_{j in N(i)} h_j)
    msg = jnp.take(h, src, axis=0)                      # gather  [E, d]
    agg = jax.ops.segment_sum(msg, dst, num_segments=num_nodes)   # scatter-add
    deg = jax.ops.segment_sum(jnp.ones((dst.shape[0], 1), dtype=h.dtype), dst, num_segments=num_nodes)
    mean = agg / jnp.maximum(deg, 1.0)
    return h @ W_self + mean @ W_neigh + b


def reference(x, edge_index, W1_self, W1_neigh, b1, W2_self, W2_neigh, b2,
              fc1_w, fc1_b, fc2_w, fc2_b, fc3_w, fc3_b):
    src = edge_index[0]
    dst = edge_index[1]
    n = x.shape[0]
    # GNN body (descriptor path): SAGE -> ReLU -> SAGE -> ReLU -> AvgPooling
    h = _sage_conv(x, src, dst, W1_self, W1_neigh, b1, n)
    h = jax.nn.relu(h)
    h = _sage_conv(h, src, dst, W2_self, W2_neigh, b2, n)
    h = jax.nn.relu(h)
    pooled = jnp.mean(h, axis=0, keepdims=True)         # AvgPooling over one graph -> [1, HIDDEN]
    # num_classes == 1 ranking head: relu6(fc1) -> relu6(fc2) -> final -> Identity
    z = jnp.clip(pooled @ fc1_w + fc1_b, 0.0, 6.0)
    z = jnp.clip(z @ fc2_w + fc2_b, 0.0, 6.0)
    out = z @ fc3_w + fc3_b
    return out

if __name__ == "__main__":
    import jax
    _d = setup_inputs()
    print(jax.jit(kernel)(*tuple(_d.values())))

</pallas_src>

<mosaic_0001>
#map = affine_map<(d0, d1) -> (0, 0)>
#map1 = affine_map<(d0, d1) -> (0, 0, 0)>
module attributes {stable_mosaic.version = 14 : i64} {
  func.func @seg_sum(%arg0: i32, %arg1: i32, %arg2: memref<2944x112xi32, #tpu.memory_space<hbm>>, %arg3: memref<2944x112xi32, #tpu.memory_space<hbm>>, %arg4: memref<10000x128xf32, #tpu.memory_space<hbm>>, %arg5: memref<2x10240x128xf32, #tpu.memory_space<hbm>>, %arg6: memref<10240x128xf32, #tpu.memory_space<vmem_shared>>, %arg7: memref<2x4x112xi32, #tpu.memory_space<vmem>>, %arg8: memref<2x4x112xi32, #tpu.memory_space<vmem>>, %arg9: memref<2x112x128xf32, #tpu.memory_space<vmem>>, %arg10: memref<16x128xf32, #tpu.memory_space<vmem>>, %arg11: memref<!tpu.dma_semaphore, #tpu.memory_space<semaphore_mem>>, %arg12: memref<!tpu.dma_semaphore, #tpu.memory_space<semaphore_mem>>, %arg13: memref<!tpu.dma_semaphore, #tpu.memory_space<semaphore_mem>>) attributes {dimension_semantics = [#tpu.dimension_semantics<core_parallel>, #tpu.dimension_semantics<subcore_parallel>], iteration_bounds = array<i64: 2, 16>, scalar_prefetch = 0 : i64, scratch_operands = 8 : i64, tpu.core_type = #tpu.core_type<sc_vector_subcore>, window_params = [{transform_indices = #map}, {transform_indices = #map}, {transform_indices = #map}, {transform_indices = #map1}]} {
    %mul3A = arith.constant 16 : i32
    %mul3A_0 = arith.muli %arg0, %mul3A : i32
    %add3A = arith.addi %mul3A_0, %arg1 : i32
    %broadcast_in_dim3A = arith.constant 0.000000e+00 : f32
    %broadcast_in_dim3A_1 = vector.broadcast %broadcast_in_dim3A : f32 to vector<16xf32>
    %scan3A = arith.constant 0 : i32
    %scan3A_2 = arith.constant 0 : i32
    %scan3A_3 = arith.constant 16 : i32
    %scan3A_4 = arith.addi %scan3A_2, %scan3A_3 : i32
    %scan3A_5 = arith.constant 1 : i32
    %scan3A_6 = scf.for %scan3A_111 = %scan3A_2 to %scan3A_4 step %scan3A_5 iter_args(%scan3A_112 = %scan3A) -> (i32)  : i32 {
      %swap3A = arith.index_cast %scan3A_111 : i32 to index
      %swap3A_113 = arith.constant 0 : index
      %swap3A_114 = tpu.vector_load %arg10[%swap3A, %swap3A_113] {strides = array<i32>} : memref<16x128xf32, #tpu.memory_space<vmem>>, vector<1x16xf32>,
      %swap3A_115 = vector.shape_cast %swap3A_114 : vector<1x16xf32> to vector<16xf32>
      %swap3A_116 = vector.shape_cast %broadcast_in_dim3A_1 : vector<16xf32> to vector<1x16xf32>
      tpu.vector_store %arg10[%swap3A, %swap3A_113], %swap3A_116 {strides = array<i32>} : memref<16x128xf32, #tpu.memory_space<vmem>>, vector<1x16xf32>,
      %swap3A_117 = arith.index_cast %scan3A_111 : i32 to index
      %swap3A_118 = arith.constant 16 : index
      %swap3A_119 = tpu.vector_load %arg10[%swap3A_117, %swap3A_118] {strides = array<i32>} : memref<16x128xf32, #tpu.memory_space<vmem>>, vector<1x16xf32>,
      %swap3A_120 = vector.shape_cast %swap3A_119 : vector<1x16xf32> to vector<16xf32>
      %swap3A_121 = vector.shape_cast %broadcast_in_dim3A_1 : vector<16xf32> to vector<1x16xf32>
      tpu.vector_store %arg10[%swap3A_117, %swap3A_118], %swap3A_121 {strides = array<i32>} : memref<16x128xf32, #tpu.memory_space<vmem>>, vector<1x16xf32>,
      %swap3A_122 = arith.index_cast %scan3A_111 : i32 to index
      %swap3A_123 = arith.constant 32 : index
      %swap3A_124 = tpu.vector_load %arg10[%swap3A_122, %swap3A_123] {strides = array<i32>} : memref<16x128xf32, #tpu.memory_space<vmem>>, vector<1x16xf32>,
      %swap3A_125 = vector.shape_cast %swap3A_124 : vector<1x16xf32> to vector<16xf32>
      %swap3A_126 = vector.shape_cast %broadcast_in_dim3A_1 : vector<16xf32> to vector<1x16xf32>
      tpu.vector_store %arg10[%swap3A_122, %swap3A_123], %swap3A_126 {strides = array<i32>} : memref<16x128xf32, #tpu.memory_space<vmem>>, vector<1x16xf32>,
      %swap3A_127 = arith.index_cast %scan3A_111 : i32 to index
      %swap3A_128 = arith.constant 48 : index
      %swap3A_129 = tpu.vector_load %arg10[%swap3A_127, %swap3A_128] {strides = array<i32>} : memref<16x128xf32, #tpu.memory_space<vmem>>, vector<1x16xf32>,
      %swap3A_130 = vector.shape_cast %swap3A_129 : vector<1x16xf32> to vector<16xf32>
      %swap3A_131 = vector.shape_cast %broadcast_in_dim3A_1 : vector<16xf32> to vector<1x16xf32>
      tpu.vector_store %arg10[%swap3A_127, %swap3A_128], %swap3A_131 {strides = array<i32>} : memref<16x128xf32, #tpu.memory_space<vmem>>, vector<1x16xf32>,
      %swap3A_132 = arith.index_cast %scan3A_111 : i32 to index
      %swap3A_133 = arith.constant 64 : index
      %swap3A_134 = tpu.vector_load %arg10[%swap3A_132, %swap3A_133] {strides = array<i32>} : memref<16x128xf32, #tpu.memory_space<vmem>>, vector<1x16xf32>,
      %swap3A_135 = vector.shape_cast %swap3A_134 : vector<1x16xf32> to vector<16xf32>
      %swap3A_136 = vector.shape_cast %broadcast_in_dim3A_1 : vector<16xf32> to vector<1x16xf32>
      tpu.vector_store %arg10[%swap3A_132, %swap3A_133], %swap3A_136 {strides = array<i32>} : memref<16x128xf32, #tpu.memory_space<vmem>>, vector<1x16xf32>,
      %swap3A_137 = arith.index_cast %scan3A_111 : i32 to index
      %swap3A_138 = arith.constant 80 : index
      %swap3A_139 = tpu.vector_load %arg10[%swap3A_137, %swap3A_138] {strides = array<i32>} : memref<16x128xf32, #tpu.memory_space<vmem>>, vector<1x16xf32>,
      %swap3A_140 = vector.shape_cast %swap3A_139 : vector<1x16xf32> to vector<16xf32>
      %swap3A_141 = vector.shape_cast %broadcast_in_dim3A_1 : vector<16xf32> to vector<1x16xf32>
      tpu.vector_store %arg10[%swap3A_137, %swap3A_138], %swap3A_141 {strides = array<i32>} : memref<16x128xf32, #tpu.memory_space<vmem>>, vector<1x16xf32>,
      %swap3A_142 = arith.index_cast %scan3A_111 : i32 to index
      %swap3A_143 = arith.constant 96 : index
      %swap3A_144 = tpu.vector_load %arg10[%swap3A_142, %swap3A_143] {strides = array<i32>} : memref<16x128xf32, #tpu.memory_space<vmem>>, vector<1x16xf32>,
      %swap3A_145 = vector.shape_cast %swap3A_144 : vector<1x16xf32> to vector<16xf32>
      %swap3A_146 = vector.shape_cast %broadcast_in_dim3A_1 : vector<16xf32> to vector<1x16xf32>
      tpu.vector_store %arg10[%swap3A_142, %swap3A_143], %swap3A_146 {strides = array<i32>} : memref<16x128xf32, #tpu.memory_space<vmem>>, vector<1x16xf32>,
      %swap3A_147 = arith.index_cast %scan3A_111 : i32 to index
      %swap3A_148 = arith.constant 112 : index
      %swap3A_149 = tpu.vector_load %arg10[%swap3A_147, %swap3A_148] {strides = array<i32>} : memref<16x128xf32, #tpu.memory_space<vmem>>, vector<1x16xf32>,
      %swap3A_150 = vector.shape_cast %swap3A_149 : vector<1x16xf32> to vector<16xf32>
      %swap3A_151 = vector.shape_cast %broadcast_in_dim3A_1 : vector<16xf32> to vector<1x16xf32>
      tpu.vector_store %arg10[%swap3A_147, %swap3A_148], %swap3A_151 {strides = array<i32>} : memref<16x128xf32, #tpu.memory_space<vmem>>, vector<1x16xf32>,
      %scan3A_152 = arith.constant 0 : i32
      scf.yield %scan3A_152 : i32
    }
    %scan3A_7 = arith.constant 16 : i32
    %mul3A_8 = arith.constant 640 : i32
    %mul3A_9 = arith.muli %arg1, %mul3A_8 : i32
    %scan3A_10 = arith.constant 0 : i32
    %scan3A_11 = arith.constant 0 : i32
    %scan3A_12 = arith.constant 40 : i32
    %scan3A_13 = arith.addi %scan3A_11, %scan3A_12 : i32
    %scan3A_14 = arith.constant 1 : i32
    %scan3A_15 = scf.for %scan3A_111 = %scan3A_11 to %scan3A_13 step %scan3A_14 iter_args(%scan3A_112 = %scan3A_10) -> (i32)  : i32 {
      %mul3A_113 = arith.constant 16 : i32
      %mul3A_114 = arith.muli %scan3A_111, %mul3A_113 : i32
      %add3A_115 = arith.addi %mul3A_9, %mul3A_114 : i32
      "tpu.region"() ({
        %run_scoped3A = tpu.sem_alloc : memref<!tpu.dma_semaphore, #tpu.memory_space<semaphore_mem>>
        %dma_start3A_117 = arith.constant 0 : i32
        %dma_start3A_118 = tpu.memref_slice %arg6[%add3A_115, %dma_start3A_117] : memref<10240x128xf32, #tpu.memory_space<vmem_shared>> -> memref<16x128xf32, #tpu.memory_space<vmem_shared>>
        %dma_start3A_119 = arith.constant 0 : i32
        %dma_start3A_120 = tpu.memref_slice %arg6[%add3A_115, %dma_start3A_119] : memref<10240x128xf32, #tpu.memory_space<vmem_shared>> -> memref<16x128xf32, #tpu.memory_space<vmem_shared>>
        tpu.enqueue_dma source(%arg10 : memref<16x128xf32, #tpu.memory_space<vmem>>) target(%dma_start3A_120 : memref<16x128xf32, #tpu.memory_space<vmem_shared>>) target_semaphore(%run_scoped3A : memref<!tpu.dma_semaphore, #tpu.memory_space<semaphore_mem>>)
        %dma_wait3A_121 = arith.constant 0 : i32
        %dma_wait3A_122 = tpu.memref_slice %arg6[%add3A_115, %dma_wait3A_121] : memref<10240x128xf32, #tpu.memory_space<vmem_shared>> -> memref<16x128xf32, #tpu.memory_space<vmem_shared>>
        %dma_wait3A_123 = arith.constant 0 : i32
        %dma_wait3A_124 = tpu.memref_slice %arg6[%add3A_115, %dma_wait3A_123] : memref<10240x128xf32, #tpu.memory_space<vmem_shared>> -> memref<16x128xf32, #tpu.memory_space<vmem_shared>>
        tpu.wait_dma2 semaphore(%run_scoped3A : memref<!tpu.dma_semaphore, #tpu.memory_space<semaphore_mem>>) src(%arg10 : memref<16x128xf32, #tpu.memory_space<vmem>>) dst(%dma_wait3A_124 : memref<16x128xf32, #tpu.memory_space<vmem_shared>>)
        tpu.yield
      }) : () -> ()
      %scan3A_116 = arith.constant 0 : i32
      scf.yield %scan3A_116 : i32
    }
    %scan3A_16 = arith.constant 40 : i32
    %barrier3A = arith.constant 0 : index
    tpu.barrier barrier_id(%barrier3A)
    %mul3A_17 = arith.constant 92 : i32
    %mul3A_18 = arith.muli %add3A, %mul3A_17 : i32
    %add3A_19 = arith.constant 0 : i32
    %add3A_20 = arith.addi %mul3A_18, %add3A_19 : i32
    %dma_start3A = arith.constant 0 : i32
    %dma_start3A_21 = arith.constant 0 : i32
    %dma_start3A_22 = arith.constant 0 : i32
    %dma_start3A_23 = tpu.memref_slice %arg7[%dma_start3A, %dma_start3A_21, %dma_start3A_22] : memref<2x4x112xi32, #tpu.memory_space<vmem>> -> memref<1x4x112xi32, #tpu.memory_space<vmem>>
    %dma_start3A_24 = tpu.memref_squeeze %dma_start3A_23 : memref<1x4x112xi32, #tpu.memory_space<vmem>> -> memref<4x112xi32, #tpu.memory_space<vmem>>
    %dma_start3A_25 = arith.constant 0 : i32
    %dma_start3A_26 = tpu.memref_slice %arg2[%add3A_20, %dma_start3A_25] : memref<2944x112xi32, #tpu.memory_space<hbm>> -> memref<4x112xi32, #tpu.memory_space<hbm>>
    %dma_start3A_27 = arith.constant 0 : i32
    %dma_start3A_28 = arith.constant 0 : i32
    %dma_start3A_29 = tpu.memref_slice %arg7[%dma_start3A, %dma_start3A_27, %dma_start3A_28] : memref<2x4x112xi32, #tpu.memory_space<vmem>> -> memref<1x4x112xi32, #tpu.memory_space<vmem>>
    %dma_start3A_30 = tpu.memref_squeeze %dma_start3A_29 : memref<1x4x112xi32, #tpu.memory_space<vmem>> -> memref<4x112xi32, #tpu.memory_space<vmem>>
    %dma_start3A_31 = arith.constant 0 : i32
    %dma_start3A_32 = tpu.memref_slice %arg2[%add3A_20, %dma_start3A_31] : memref<2944x112xi32, #tpu.memory_space<hbm>> -> memref<4x112xi32, #tpu.memory_space<hbm>>
    tpu.enqueue_dma source(%dma_start3A_32 : memref<4x112xi32, #tpu.memory_space<hbm>>) target(%dma_start3A_30 : memref<4x112xi32, #tpu.memory_space<vmem>>) target_semaphore(%arg13 : memref<!tpu.dma_semaphore, #tpu.memory_space<semaphore_mem>>)
    %add3A_33 = arith.constant 0 : i32
    %add3A_34 = arith.addi %mul3A_18, %add3A_33 : i32
    %dma_start3A_35 = arith.constant 0 : i32
    %dma_start3A_36 = arith.constant 0 : i32
    %dma_start3A_37 = arith.constant 0 : i32
    %dma_start3A_38 = tpu.memref_slice %arg8[%dma_start3A_35, %dma_start3A_36, %dma_start3A_37] : memref<2x4x112xi32, #tpu.memory_space<vmem>> -> memref<1x4x112xi32, #tpu.memory_space<vmem>>
    %dma_start3A_39 = tpu.memref_squeeze %dma_start3A_38 : memref<1x4x112xi32, #tpu.memory_space<vmem>> -> memref<4x112xi32, #tpu.memory_space<vmem>>
    %dma_start3A_40 = arith.constant 0 : i32
    %dma_start3A_41 = tpu.memref_slice %arg3[%add3A_34, %dma_start3A_40] : memref<2944x112xi32, #tpu.memory_space<hbm>> -> memref<4x112xi32, #tpu.memory_space<hbm>>
    %dma_start3A_42 = arith.constant 0 : i32
    %dma_start3A_43 = arith.constant 0 : i32
    %dma_start3A_44 = tpu.memref_slice %arg8[%dma_start3A_35, %dma_start3A_42, %dma_start3A_43] : memref<2x4x112xi32, #tpu.memory_space<vmem>> -> memref<1x4x112xi32, #tpu.memory_space<vmem>>
    %dma_start3A_45 = tpu.memref_squeeze %dma_start3A_44 : memref<1x4x112xi32, #tpu.memory_space<vmem>> -> memref<4x112xi32, #tpu.memory_space<vmem>>
    %dma_start3A_46 = arith.constant 0 : i32
    %dma_start3A_47 = tpu.memref_slice %arg3[%add3A_34, %dma_start3A_46] : memref<2944x112xi32, #tpu.memory_space<hbm>> -> memref<4x112xi32, #tpu.memory_space<hbm>>
    tpu.enqueue_dma source(%dma_start3A_47 : memref<4x112xi32, #tpu.memory_space<hbm>>) target(%dma_start3A_45 : memref<4x112xi32, #tpu.memory_space<vmem>>) target_semaphore(%arg13 : memref<!tpu.dma_semaphore, #tpu.memory_space<semaphore_mem>>)
    %add3A_48 = arith.constant 0 : i32
    %add3A_49 = arith.addi %mul3A_18, %add3A_48 : i32
    %dma_wait3A = arith.constant 0 : i32
    %dma_wait3A_50 = arith.constant 0 : i32
    %dma_wait3A_51 = arith.constant 0 : i32
    %dma_wait3A_52 = tpu.memref_slice %arg7[%dma_wait3A, %dma_wait3A_50, %dma_wait3A_51] : memref<2x4x112xi32, #tpu.memory_space<vmem>> -> memref<1x4x112xi32, #tpu.memory_space<vmem>>
    %dma_wait3A_53 = tpu.memref_squeeze %dma_wait3A_52 : memref<1x4x112xi32, #tpu.memory_space<vmem>> -> memref<4x112xi32, #tpu.memory_space<vmem>>
    %dma_wait3A_54 = arith.constant 0 : i32
    %dma_wait3A_55 = tpu.memref_slice %arg2[%add3A_49, %dma_wait3A_54] : memref<2944x112xi32, #tpu.memory_space<hbm>> -> memref<4x112xi32, #tpu.memory_space<hbm>>
    %dma_wait3A_56 = arith.constant 0 : i32
    %dma_wait3A_57 = arith.constant 0 : i32
    %dma_wait3A_58 = tpu.memref_slice %arg7[%dma_wait3A, %dma_wait3A_56, %dma_wait3A_57] : memref<2x4x112xi32, #tpu.memory_space<vmem>> -> memref<1x4x112xi32, #tpu.memory_space<vmem>>
    %dma_wait3A_59 = tpu.memref_squeeze %dma_wait3A_58 : memref<1x4x112xi32, #tpu.memory_space<vmem>> -> memref<4x112xi32, #tpu.memory_space<vmem>>
    %dma_wait3A_60 = arith.constant 0 : i32
    %dma_wait3A_61 = tpu.memref_slice %arg2[%add3A_49, %dma_wait3A_60] : memref<2944x112xi32, #tpu.memory_space<hbm>> -> memref<4x112xi32, #tpu.memory_space<hbm>>
    tpu.wait_dma2 semaphore(%arg13 : memref<!tpu.dma_semaphore, #tpu.memory_space<semaphore_mem>>) src(%dma_wait3A_61 : memref<4x112xi32, #tpu.memory_space<hbm>>) dst(%dma_wait3A_59 : memref<4x112xi32, #tpu.memory_space<vmem>>)
    %add3A_62 = arith.constant 0 : i32
    %add3A_63 = arith.addi %mul3A_18, %add3A_62 : i32
    %dma_wait3A_64 = arith.constant 0 : i32
    %dma_wait3A_65 = arith.constant 0 : i32
    %dma_wait3A_66 = arith.constant 0 : i32
    %dma_wait3A_67 = tpu.memref_slice %arg8[%dma_wait3A_64, %dma_wait3A_65, %dma_wait3A_66] : memref<2x4x112xi32, #tpu.memory_space<vmem>> -> memref<1x4x112xi32, #tpu.memory_space<vmem>>
    %dma_wait3A_68 = tpu.memref_squeeze %dma_wait3A_67 : memref<1x4x112xi32, #tpu.memory_space<vmem>> -> memref<4x112xi32, #tpu.memory_space<vmem>>
    %dma_wait3A_69 = arith.constant 0 : i32
    %dma_wait3A_70 = tpu.memref_slice %arg3[%add3A_63, %dma_wait3A_69] : memref<2944x112xi32, #tpu.memory_space<hbm>> -> memref<4x112xi32, #tpu.memory_space<hbm>>
    %dma_wait3A_71 = arith.constant 0 : i32
    %dma_wait3A_72 = arith.constant 0 : i32
    %dma_wait3A_73 = tpu.memref_slice %arg8[%dma_wait3A_64, %dma_wait3A_71, %dma_wait3A_72] : memref<2x4x112xi32, #tpu.memory_space<vmem>> -> memref<1x4x112xi32, #tpu.memory_space<vmem>>
    %dma_wait3A_74 = tpu.memref_squeeze %dma_wait3A_73 : memref<1x4x112xi32, #tpu.memory_space<vmem>> -> memref<4x112xi32, #tpu.memory_space<vmem>>
    %dma_wait3A_75 = arith.constant 0 : i32
    %dma_wait3A_76 = tpu.memref_slice %arg3[%add3A_63, %dma_wait3A_75] : memref<2944x112xi32, #tpu.memory_space<hbm>> -> memref<4x112xi32, #tpu.memory_space<hbm>>
    tpu.wait_dma2 semaphore(%arg13 : memref<!tpu.dma_semaphore, #tpu.memory_space<semaphore_mem>>) src(%dma_wait3A_76 : memref<4x112xi32, #tpu.memory_space<hbm>>) dst(%dma_wait3A_74 : memref<4x112xi32, #tpu.memory_space<vmem>>)
    %dma_start3A_77 = arith.constant 0 : i32
    %dma_start3A_78 = arith.constant 0 : i32
    %dma_start3A_79 = arith.constant 0 : i32
    %dma_start3A_80 = arith.constant 0 : i32
    %dma_start3A_81 = arith.constant 0 : i32
    %dma_start3A_82 = tpu.memref_slice %arg9[%dma_start3A_79, %dma_start3A_80, %dma_start3A_81] : memref<2x112x128xf32, #tpu.memory_space<vmem>> -> memref<1x112x128xf32, #tpu.memory_space<vmem>>
    %dma_start3A_83 = tpu.memref_squeeze %dma_start3A_82 : memref<1x112x128xf32, #tpu.memory_space<vmem>> -> memref<112x128xf32, #tpu.memory_space<vmem>>
    %dma_start3A_84 = arith.constant 0 : i32
    %dma_start3A_85 = tpu.memref_slice %arg7[%dma_start3A_77, %dma_start3A_78, %dma_start3A_84] : memref<2x4x112xi32, #tpu.memory_space<vmem>> -> memref<1x1x112xi32, #tpu.memory_space<vmem>>
    %dma_start3A_86 = tpu.memref_squeeze %dma_start3A_85 : memref<1x1x112xi32, #tpu.memory_space<vmem>> -> memref<112xi32, #tpu.memory_space<vmem>>
    %dma_start3A_87 = arith.constant 0 : i32
    %dma_start3A_88 = arith.constant 0 : i32
    %dma_start3A_89 = tpu.memref_slice %arg4[%dma_start3A_87, %dma_start3A_88] : memref<10000x128xf32, #tpu.memory_space<hbm>> -> memref<10000x128xf32, #tpu.memory_space<hbm>>
    tpu.enqueue_indirect_dma source(%dma_start3A_89 : memref<10000x128xf32, #tpu.memory_space<hbm>>) target(%dma_start3A_83 : memref<112x128xf32, #tpu.memory_space<vmem>>) offsets(%dma_start3A_86 : memref<112xi32, #tpu.memory_space<vmem>>) semaphore(%arg11 : memref<!tpu.dma_semaphore, #tpu.memory_space<semaphore_mem>>)
    %scan3A_90 = arith.constant 0 : i32
    %scan3A_91 = arith.constant 0 : i32
    %scan3A_92 = arith.constant 23 : i32
    %scan3A_93 = arith.addi %scan3A_91, %scan3A_92 : i32
    %scan3A_94 = arith.constant 1 : i32
    %scan3A_95 = scf.for %scan3A_111 = %scan3A_91 to %scan3A_93 step %scan3A_94 iter_args(%scan3A_112 = %scan3A_90) -> (i32)  : i32 {
      %rem3A = arith.constant 2 : i32
      %rem3A_113 = arith.remsi %scan3A_111, %rem3A : i32
      %sub3A = arith.constant 1 : i32
      %sub3A_114 = arith.subi %sub3A, %rem3A_113 : i32
      %dma_wait3A_115 = arith.constant 0 : i32
      %dma_wait3A_116 = arith.constant 0 : i32
      %dma_wait3A_117 = arith.constant 0 : i32
      %dma_wait3A_118 = arith.constant 0 : i32
      %dma_wait3A_119 = tpu.memref_slice %arg9[%dma_wait3A_116, %dma_wait3A_117, %dma_wait3A_118] : memref<2x112x128xf32, #tpu.memory_space<vmem>> -> memref<1x112x128xf32, #tpu.memory_space<vmem>>
      %dma_wait3A_120 = tpu.memref_squeeze %dma_wait3A_119 : memref<1x112x128xf32, #tpu.memory_space<vmem>> -> memref<112x128xf32, #tpu.memory_space<vmem>>
      %dma_wait3A_121 = arith.constant 0 : i32
      %dma_wait3A_122 = tpu.memref_slice %arg7[%rem3A_113, %dma_wait3A_115, %dma_wait3A_121] : memref<2x4x112xi32, #tpu.memory_space<vmem>> -> memref<1x1x112xi32, #tpu.memory_space<vmem>>
      %dma_wait3A_123 = tpu.memref_squeeze %dma_wait3A_122 : memref<1x1x112xi32, #tpu.memory_space<vmem>> -> memref<112xi32, #tpu.memory_space<vmem>>
      %dma_wait3A_124 = arith.constant 0 : i32
      %dma_wait3A_125 = arith.constant 0 : i32
      %dma_wait3A_126 = tpu.memref_slice %arg4[%dma_wait3A_124, %dma_wait3A_125] : memref<10000x128xf32, #tpu.memory_space<hbm>> -> memref<10000x128xf32, #tpu.memory_space<hbm>>
      tpu.wait_indirect_dma semaphore(%arg11 : memref<!tpu.dma_semaphore, #tpu.memory_space<semaphore_mem>>) src(%dma_wait3A_126 : memref<10000x128xf32, #tpu.memory_space<hbm>>) dst(%dma_wait3A_120 : memref<112x128xf32, #tpu.memory_space<vmem>>)
      %gt3A = arith.constant 0 : i32
      %gt3A_127 = arith.cmpi sgt, %scan3A_111, %gt3A : i32
      %convert_element_type3A = arith.extui %gt3A_127 : i1 to i32
      %cond3A = arith.constant 0 : i32
      %cond3A_128 = arith.cmpi ne, %convert_element_type3A, %cond3A : i32
      scf.if %cond3A_128 {
        %dma_wait3A_306 = arith.constant 1 : i32
        %dma_wait3A_307 = arith.constant 3 : i32
        %dma_wait3A_308 = arith.constant 0 : i32
        %dma_wait3A_309 = arith.constant 0 : i32
        %dma_wait3A_310 = tpu.memref_slice %arg9[%dma_wait3A_306, %dma_wait3A_308, %dma_wait3A_309] : memref<2x112x128xf32, #tpu.memory_space<vmem>> -> memref<1x112x128xf32, #tpu.memory_space<vmem>>
        %dma_wait3A_311 = tpu.memref_squeeze %dma_wait3A_310 : memref<1x112x128xf32, #tpu.memory_space<vmem>> -> memref<112x128xf32, #tpu.memory_space<vmem>>
        %dma_wait3A_312 = arith.constant 0 : i32
        %dma_wait3A_313 = tpu.memref_slice %arg8[%sub3A_114, %dma_wait3A_307, %dma_wait3A_312] : memref<2x4x112xi32, #tpu.memory_space<vmem>> -> memref<1x1x112xi32, #tpu.memory_space<vmem>>
        %dma_wait3A_314 = tpu.memref_squeeze %dma_wait3A_313 : memref<1x1x112xi32, #tpu.memory_space<vmem>> -> memref<112xi32, #tpu.memory_space<vmem>>
        %dma_wait3A_315 = arith.constant 0 : i32
        %dma_wait3A_316 = arith.constant 0 : i32
        %dma_wait3A_317 = tpu.memref_slice %arg6[%dma_wait3A_315, %dma_wait3A_316] : memref<10240x128xf32, #tpu.memory_space<vmem_shared>> -> memref<10240x128xf32, #tpu.memory_space<vmem_shared>>
        tpu.wait_indirect_dma semaphore(%arg12 : memref<!tpu.dma_semaphore, #tpu.memory_space<semaphore_mem>>) src(%dma_wait3A_311 : memref<112x128xf32, #tpu.memory_space<vmem>>) dst(%dma_wait3A_317 : memref<10240x128xf32, #tpu.memory_space<vmem_shared>>)
      } else {
      }
      %add3A_129 = arith.constant 1 : i32
      %add3A_130 = arith.addi %scan3A_111, %add3A_129 : i32
      %lt3A = arith.constant 23 : i32
      %lt3A_131 = arith.cmpi slt, %add3A_130, %lt3A : i32
      %convert_element_type3A_132 = arith.extui %lt3A_131 : i1 to i32
      %cond3A_133 = arith.constant 0 : i32
      %cond3A_134 = arith.cmpi ne, %convert_element_type3A_132, %cond3A_133 : i32
      scf.if %cond3A_134 {
        %add3A_306 = arith.constant 1 : i32
        %add3A_307 = arith.addi %scan3A_111, %add3A_306 : i32
        %mul3A_308 = arith.constant 4 : i32
        %mul3A_309 = arith.muli %add3A_307, %mul3A_308 : i32
        %add3A_310 = arith.addi %mul3A_18, %mul3A_309 : i32
        %dma_start3A_311 = arith.constant 0 : i32
        %dma_start3A_312 = arith.constant 0 : i32
        %dma_start3A_313 = tpu.memref_slice %arg7[%sub3A_114, %dma_start3A_311, %dma_start3A_312] : memref<2x4x112xi32, #tpu.memory_space<vmem>> -> memref<1x4x112xi32, #tpu.memory_space<vmem>>
        %dma_start3A_314 = tpu.memref_squeeze %dma_start3A_313 : memref<1x4x112xi32, #tpu.memory_space<vmem>> -> memref<4x112xi32, #tpu.memory_space<vmem>>
        %dma_start3A_315 = arith.constant 0 : i32
        %dma_start3A_316 = tpu.memref_slice %arg2[%add3A_310, %dma_start3A_315] : memref<2944x112xi32, #tpu.memory_space<hbm>> -> memref<4x112xi32, #tpu.memory_space<hbm>>
        %dma_start3A_317 = arith.constant 0 : i32
        %dma_start3A_318 = arith.constant 0 : i32
        %dma_start3A_319 = tpu.memref_slice %arg7[%sub3A_114, %dma_start3A_317, %dma_start3A_318] : memref<2x4x112xi32, #tpu.memory_space<vmem>> -> memref<1x4x112xi32, #tpu.memory_space<vmem>>
        %dma_start3A_320 = tpu.memref_squeeze %dma_start3A_319 : memref<1x4x112xi32, #tpu.memory_space<vmem>> -> memref<4x112xi32, #tpu.memory_space<vmem>>
        %dma_start3A_321 = arith.constant 0 : i32
        %dma_start3A_322 = tpu.memref_slice %arg2[%add3A_310, %dma_start3A_321] : memref<2944x112xi32, #tpu.memory_space<hbm>> -> memref<4x112xi32, #tpu.memory_space<hbm>>
        tpu.enqueue_dma source(%dma_start3A_322 : memref<4x112xi32, #tpu.memory_space<hbm>>) target(%dma_start3A_320 : memref<4x112xi32, #tpu.memory_space<vmem>>) target_semaphore(%arg13 : memref<!tpu.dma_semaphore, #tpu.memory_space<semaphore_mem>>)
        %mul3A_323 = arith.constant 4 : i32
        %mul3A_324 = arith.muli %add3A_307, %mul3A_323 : i32
        %add3A_325 = arith.addi %mul3A_18, %mul3A_324 : i32
        %dma_start3A_326 = arith.constant 0 : i32
        %dma_start3A_327 = arith.constant 0 : i32
        %dma_start3A_328 = tpu.memref_slice %arg8[%sub3A_114, %dma_start3A_326, %dma_start3A_327] : memref<2x4x112xi32, #tpu.memory_space<vmem>> -> memref<1x4x112xi32, #tpu.memory_space<vmem>>
        %dma_start3A_329 = tpu.memref_squeeze %dma_start3A_328 : memref<1x4x112xi32, #tpu.memory_space<vmem>> -> memref<4x112xi32, #tpu.memory_space<vmem>>
        %dma_start3A_330 = arith.constant 0 : i32
        %dma_start3A_331 = tpu.memref_slice %arg3[%add3A_325, %dma_start3A_330] : memref<2944x112xi32, #tpu.memory_space<hbm>> -> memref<4x112xi32, #tpu.memory_space<hbm>>
        %dma_start3A_332 = arith.constant 0 : i32
        %dma_start3A_333 = arith.constant 0 : i32
        %dma_start3A_334 = tpu.memref_slice %arg8[%sub3A_114, %dma_start3A_332, %dma_start3A_333] : memref<2x4x112xi32, #tpu.memory_space<vmem>> -> memref<1x4x112xi32, #tpu.memory_space<vmem>>
        %dma_start3A_335 = tpu.memref_squeeze %dma_start3A_334 : memref<1x4x112xi32, #tpu.memory_space<vmem>> -> memref<4x112xi32, #tpu.memory_space<vmem>>
        %dma_start3A_336 = arith.constant 0 : i32
        %dma_start3A_337 = tpu.memref_slice %arg3[%add3A_325, %dma_start3A_336] : memref<2944x112xi32, #tpu.memory_space<hbm>> -> memref<4x112xi32, #tpu.memory_space<hbm>>
        tpu.enqueue_dma source(%dma_start3A_337 : memref<4x112xi32, #tpu.memory_space<hbm>>) target(%dma_start3A_335 : memref<4x112xi32, #tpu.memory_space<vmem>>) target_semaphore(%arg13 : memref<!tpu.dma_semaphore, #tpu.memory_space<semaphore_mem>>)
      } else {
      }
      %dma_start3A_135 = arith.constant 1 : i32
      %dma_start3A_136 = arith.constant 1 : i32
      %dma_start3A_137 = arith.constant 0 : i32
      %dma_start3A_138 = arith.constant 0 : i32
      %dma_start3A_139 = tpu.memref_slice %arg9[%dma_start3A_136, %dma_start3A_137, %dma_start3A_138] : memref<2x112x128xf32, #tpu.memory_space<vmem>> -> memref<1x112x128xf32, #tpu.memory_space<vmem>>
      %dma_start3A_140 = tpu.memref_squeeze %dma_start3A_139 : memref<1x112x128xf32, #tpu.memory_space<vmem>> -> memref<112x128xf32, #tpu.memory_space<vmem>>
      %dma_start3A_141 = arith.constant 0 : i32
      %dma_start3A_142 = tpu.memref_slice %arg7[%rem3A_113, %dma_start3A_135, %dma_start3A_141] : memref<2x4x112xi32, #tpu.memory_space<vmem>> -> memref<1x1x112xi32, #tpu.memory_space<vmem>>
      %dma_start3A_143 = tpu.memref_squeeze %dma_start3A_142 : memref<1x1x112xi32, #tpu.memory_space<vmem>> -> memref<112xi32, #tpu.memory_space<vmem>>
      %dma_start3A_144 = arith.constant 0 : i32
      %dma_start3A_145 = arith.constant 0 : i32
      %dma_start3A_146 = tpu.memref_slice %arg4[%dma_start3A_144, %dma_start3A_145] : memref<10000x128xf32, #tpu.memory_space<hbm>> -> memref<10000x128xf32, #tpu.memory_space<hbm>>
      tpu.enqueue_indirect_dma source(%dma_start3A_146 : memref<10000x128xf32, #tpu.memory_space<hbm>>) target(%dma_start3A_140 : memref<112x128xf32, #tpu.memory_space<vmem>>) offsets(%dma_start3A_143 : memref<112xi32, #tpu.memory_space<vmem>>) semaphore(%arg11 : memref<!tpu.dma_semaphore, #tpu.memory_space<semaphore_mem>>)
      %dma_start3A_147 = arith.constant 0 : i32
      %dma_start3A_148 = arith.constant 0 : i32
      %dma_start3A_149 = arith.constant 0 : i32
      %dma_start3A_150 = arith.constant 0 : i32
      %dma_start3A_151 = tpu.memref_slice %arg9[%dma_start3A_147, %dma_start3A_149, %dma_start3A_150] : memref<2x112x128xf32, #tpu.memory_space<vmem>> -> memref<1x112x128xf32, #tpu.memory_space<vmem>>
      %dma_start3A_152 = tpu.memref_squeeze %dma_start3A_151 : memref<1x112x128xf32, #tpu.memory_space<vmem>> -> memref<112x128xf32, #tpu.memory_space<vmem>>
      %dma_start3A_153 = arith.constant 0 : i32
      %dma_start3A_154 = tpu.memref_slice %arg8[%rem3A_113, %dma_start3A_148, %dma_start3A_153] : memref<2x4x112xi32, #tpu.memory_space<vmem>> -> memref<1x1x112xi32, #tpu.memory_space<vmem>>
      %dma_start3A_155 = tpu.memref_squeeze %dma_start3A_154 : memref<1x1x112xi32, #tpu.memory_space<vmem>> -> memref<112xi32, #tpu.memory_space<vmem>>
      %dma_start3A_156 = arith.constant 0 : i32
      %dma_start3A_157 = arith.constant 0 : i32
      %dma_start3A_158 = tpu.memref_slice %arg6[%dma_start3A_156, %dma_start3A_157] : memref<10240x128xf32, #tpu.memory_space<vmem_shared>> -> memref<10240x128xf32, #tpu.memory_space<vmem_shared>>
      tpu.enqueue_indirect_dma source(%dma_start3A_152 : memref<112x128xf32, #tpu.memory_space<vmem>>) target(%dma_start3A_158 : memref<10240x128xf32, #tpu.memory_space<vmem_shared>>) offsets(%dma_start3A_155 : memref<112xi32, #tpu.memory_space<vmem>>) semaphore(%arg12 : memref<!tpu.dma_semaphore, #tpu.memory_space<semaphore_mem>>) {add = true}
      %dma_wait3A_159 = arith.constant 1 : i32
      %dma_wait3A_160 = arith.constant 1 : i32
      %dma_wait3A_161 = arith.constant 0 : i32
      %dma_wait3A_162 = arith.constant 0 : i32
      %dma_wait3A_163 = tpu.memref_slice %arg9[%dma_wait3A_160, %dma_wait3A_161, %dma_wait3A_162] : memref<2x112x128xf32, #tpu.memory_space<vmem>> -> memref<1x112x128xf32, #tpu.memory_space<vmem>>
      %dma_wait3A_164 = tpu.memref_squeeze %dma_wait3A_163 : memref<1x112x128xf32, #tpu.memory_space<vmem>> -> memref<112x128xf32, #tpu.memory_space<vmem>>
      %dma_wait3A_165 = arith.constant 0 : i32
      %dma_wait3A_166 = tpu.memref_slice %arg7[%rem3A_113, %dma_wait3A_159, %dma_wait3A_165] : memref<2x4x112xi32, #tpu.memory_space<vmem>> -> memref<1x1x112xi32, #tpu.memory_space<vmem>>
      %dma_wait3A_167 = tpu.memref_squeeze %dma_wait3A_166 : memref<1x1x112xi32, #tpu.memory_space<vmem>> -> memref<112xi32, #tpu.memory_space<vmem>>
      %dma_wait3A_168 = arith.constant 0 : i32
      %dma_wait3A_169 = arith.constant 0 : i32
      %dma_wait3A_170 = tpu.memref_slice %arg4[%dma_wait3A_168, %dma_wait3A_169] : memref<10000x128xf32, #tpu.memory_space<hbm>> -> memref<10000x128xf32, #tpu.memory_space<hbm>>
      tpu.wait_indirect_dma semaphore(%arg11 : memref<!tpu.dma_semaphore, #tpu.memory_space<semaphore_mem>>) src(%dma_wait3A_170 : memref<10000x128xf32, #tpu.memory_space<hbm>>) dst(%dma_wait3A_164 : memref<112x128xf32, #tpu.memory_space<vmem>>)
      %dma_wait3A_171 = arith.constant 0 : i32
      %dma_wait3A_172 = arith.constant 0 : i32
      %dma_wait3A_173 = arith.constant 0 : i32
      %dma_wait3A_174 = arith.constant 0 : i32
      %dma_wait3A_175 = tpu.memref_slice %arg9[%dma_wait3A_171, %dma_wait3A_173, %dma_wait3A_174] : memref<2x112x128xf32, #tpu.memory_space<vmem>> -> memref<1x112x128xf32, #tpu.memory_space<vmem>>
      %dma_wait3A_176 = tpu.memref_squeeze %dma_wait3A_175 : memref<1x112x128xf32, #tpu.memory_space<vmem>> -> memref<112x128xf32, #tpu.memory_space<vmem>>
      %dma_wait3A_177 = arith.constant 0 : i32
      %dma_wait3A_178 = tpu.memref_slice %arg8[%rem3A_113, %dma_wait3A_172, %dma_wait3A_177] : memref<2x4x112xi32, #tpu.memory_space<vmem>> -> memref<1x1x112xi32, #tpu.memory_space<vmem>>
      %dma_wait3A_179 = tpu.memref_squeeze %dma_wait3A_178 : memref<1x1x112xi32, #tpu.memory_space<vmem>> -> memref<112xi32, #tpu.memory_space<vmem>>
      %dma_wait3A_180 = arith.constant 0 : i32
      %dma_wait3A_181 = arith.constant 0 : i32
      %dma_wait3A_182 = tpu.memref_slice %arg6[%dma_wait3A_180, %dma_wait3A_181] : memref<10240x128xf32, #tpu.memory_space<vmem_shared>> -> memref<10240x128xf32, #tpu.memory_space<vmem_shared>>
      tpu.wait_indirect_dma semaphore(%arg12 : memref<!tpu.dma_semaphore, #tpu.memory_space<semaphore_mem>>) src(%dma_wait3A_176 : memref<112x128xf32, #tpu.memory_space<vmem>>) dst(%dma_wait3A_182 : memref<10240x128xf32, #tpu.memory_space<vmem_shared>>)
      %dma_start3A_183 = arith.constant 2 : i32
      %dma_start3A_184 = arith.constant 0 : i32
      %dma_start3A_185 = arith.constant 0 : i32
      %dma_start3A_186 = arith.constant 0 : i32
      %dma_start3A_187 = tpu.memref_slice %arg9[%dma_start3A_184, %dma_start3A_185, %dma_start3A_186] : memref<2x112x128xf32, #tpu.memory_space<vmem>> -> memref<1x112x128xf32, #tpu.memory_space<vmem>>
      %dma_start3A_188 = tpu.memref_squeeze %dma_start3A_187 : memref<1x112x128xf32, #tpu.memory_space<vmem>> -> memref<112x128xf32, #tpu.memory_space<vmem>>
      %dma_start3A_189 = arith.constant 0 : i32
      %dma_start3A_190 = tpu.memref_slice %arg7[%rem3A_113, %dma_start3A_183, %dma_start3A_189] : memref<2x4x112xi32, #tpu.memory_space<vmem>> -> memref<1x1x112xi32, #tpu.memory_space<vmem>>
      %dma_start3A_191 = tpu.memref_squeeze %dma_start3A_190 : memref<1x1x112xi32, #tpu.memory_space<vmem>> -> memref<112xi32, #tpu.memory_space<vmem>>
      %dma_start3A_192 = arith.constant 0 : i32
      %dma_start3A_193 = arith.constant 0 : i32
      %dma_start3A_194 = tpu.memref_slice %arg4[%dma_start3A_192, %dma_start3A_193] : memref<10000x128xf32, #tpu.memory_space<hbm>> -> memref<10000x128xf32, #tpu.memory_space<hbm>>
      tpu.enqueue_indirect_dma source(%dma_start3A_194 : memref<10000x128xf32, #tpu.memory_space<hbm>>) target(%dma_start3A_188 : memref<112x128xf32, #tpu.memory_space<vmem>>) offsets(%dma_start3A_191 : memref<112xi32, #tpu.memory_space<vmem>>) semaphore(%arg11 : memref<!tpu.dma_semaphore, #tpu.memory_space<semaphore_mem>>)
      %dma_start3A_195 = arith.constant 1 : i32
      %dma_start3A_196 = arith.constant 1 : i32
      %dma_start3A_197 = arith.constant 0 : i32
      %dma_start3A_198 = arith.constant 0 : i32
      %dma_start3A_199 = tpu.memref_slice %arg9[%dma_start3A_195, %dma_start3A_197, %dma_start3A_198] : memref<2x112x128xf32, #tpu.memory_space<vmem>> -> memref<1x112x128xf32, #tpu.memory_space<vmem>>
      %dma_start3A_200 = tpu.memref_squeeze %dma_start3A_199 : memref<1x112x128xf32, #tpu.memory_space<vmem>> -> memref<112x128xf32, #tpu.memory_space<vmem>>
      %dma_start3A_201 = arith.constant 0 : i32
      %dma_start3A_202 = tpu.memref_slice %arg8[%rem3A_113, %dma_start3A_196, %dma_start3A_201] : memref<2x4x112xi32, #tpu.memory_space<vmem>> -> memref<1x1x112xi32, #tpu.memory_space<vmem>>
      %dma_start3A_203 = tpu.memref_squeeze %dma_start3A_202 : memref<1x1x112xi32, #tpu.memory_space<vmem>> -> memref<112xi32, #tpu.memory_space<vmem>>
      %dma_start3A_204 = arith.constant 0 : i32
      %dma_start3A_205 = arith.constant 0 : i32
      %dma_start3A_206 = tpu.memref_slice %arg6[%dma_start3A_204, %dma_start3A_205] : memref<10240x128xf32, #tpu.memory_space<vmem_shared>> -> memref<10240x128xf32, #tpu.memory_space<vmem_shared>>
      tpu.enqueue_indirect_dma source(%dma_start3A_200 : memref<112x128xf32, #tpu.memory_space<vmem>>) target(%dma_start3A_206 : memref<10240x128xf32, #tpu.memory_space<vmem_shared>>) offsets(%dma_start3A_203 : memref<112xi32, #tpu.memory_space<vmem>>) semaphore(%arg12 : memref<!tpu.dma_semaphore, #tpu.memory_space<semaphore_mem>>) {add = true}
      %dma_wait3A_207 = arith.constant 2 : i32
      %dma_wait3A_208 = arith.constant 0 : i32
      %dma_wait3A_209 = arith.constant 0 : i32
      %dma_wait3A_210 = arith.constant 0 : i32
      %dma_wait3A_211 = tpu.memref_slice %arg9[%dma_wait3A_208, %dma_wait3A_209, %dma_wait3A_210] : memref<2x112x128xf32, #tpu.memory_space<vmem>> -> memref<1x112x128xf32, #tpu.memory_space<vmem>>
      %dma_wait3A_212 = tpu.memref_squeeze %dma_wait3A_211 : memref<1x112x128xf32, #tpu.memory_space<vmem>> -> memref<112x128xf32, #tpu.memory_space<vmem>>
      %dma_wait3A_213 = arith.constant 0 : i32
      %dma_wait3A_214 = tpu.memref_slice %arg7[%rem3A_113, %dma_wait3A_207, %dma_wait3A_213] : memref<2x4x112xi32, #tpu.memory_space<vmem>> -> memref<1x1x112xi32, #tpu.memory_space<vmem>>
      %dma_wait3A_215 = tpu.memref_squeeze %dma_wait3A_214 : memref<1x1x112xi32, #tpu.memory_space<vmem>> -> memref<112xi32, #tpu.memory_space<vmem>>
      %dma_wait3A_216 = arith.constant 0 : i32
      %dma_wait3A_217 = arith.constant 0 : i32
      %dma_wait3A_218 = tpu.memref_slice %arg4[%dma_wait3A_216, %dma_wait3A_217] : memref<10000x128xf32, #tpu.memory_space<hbm>> -> memref<10000x128xf32, #tpu.memory_space<hbm>>
      tpu.wait_indirect_dma semaphore(%arg11 : memref<!tpu.dma_semaphore, #tpu.memory_space<semaphore_mem>>) src(%dma_wait3A_218 : memref<10000x128xf32, #tpu.memory_space<hbm>>) dst(%dma_wait3A_212 : memref<112x128xf32, #tpu.memory_space<vmem>>)
      %dma_wait3A_219 = arith.constant 1 : i32
      %dma_wait3A_220 = arith.constant 1 : i32
      %dma_wait3A_221 = arith.constant 0 : i32
      %dma_wait3A_222 = arith.constant 0 : i32
      %dma_wait3A_223 = tpu.memref_slice %arg9[%dma_wait3A_219, %dma_wait3A_221, %dma_wait3A_222] : memref<2x112x128xf32, #tpu.memory_space<vmem>> -> memref<1x112x128xf32, #tpu.memory_space<vmem>>
      %dma_wait3A_224 = tpu.memref_squeeze %dma_wait3A_223 : memref<1x112x128xf32, #tpu.memory_space<vmem>> -> memref<112x128xf32, #tpu.memory_space<vmem>>
      %dma_wait3A_225 = arith.constant 0 : i32
      %dma_wait3A_226 = tpu.memref_slice %arg8[%rem3A_113, %dma_wait3A_220, %dma_wait3A_225] : memref<2x4x112xi32, #tpu.memory_space<vmem>> -> memref<1x1x112xi32, #tpu.memory_space<vmem>>
      %dma_wait3A_227 = tpu.memref_squeeze %dma_wait3A_226 : memref<1x1x112xi32, #tpu.memory_space<vmem>> -> memref<112xi32, #tpu.memory_space<vmem>>
      %dma_wait3A_228 = arith.constant 0 : i32
      %dma_wait3A_229 = arith.constant 0 : i32
      %dma_wait3A_230 = tpu.memref_slice %arg6[%dma_wait3A_228, %dma_wait3A_229] : memref<10240x128xf32, #tpu.memory_space<vmem_shared>> -> memref<10240x128xf32, #tpu.memory_space<vmem_shared>>
      tpu.wait_indirect_dma semaphore(%arg12 : memref<!tpu.dma_semaphore, #tpu.memory_space<semaphore_mem>>) src(%dma_wait3A_224 : memref<112x128xf32, #tpu.memory_space<vmem>>) dst(%dma_wait3A_230 : memref<10240x128xf32, #tpu.memory_space<vmem_shared>>)
      %add3A_231 = arith.constant 1 : i32
      %add3A_232 = arith.addi %scan3A_111, %add3A_231 : i32
      %lt3A_233 = arith.constant 23 : i32
      %lt3A_234 = arith.cmpi slt, %add3A_232, %lt3A_233 : i32
      %convert_element_type3A_235 = arith.extui %lt3A_234 : i1 to i32
      %cond3A_236 = arith.constant 0 : i32
      %cond3A_237 = arith.cmpi ne, %convert_element_type3A_235, %cond3A_236 : i32
      scf.if %cond3A_237 {
        %add3A_306 = arith.constant 1 : i32
        %add3A_307 = arith.addi %scan3A_111, %add3A_306 : i32
        %mul3A_308 = arith.constant 4 : i32
        %mul3A_309 = arith.muli %add3A_307, %mul3A_308 : i32
        %add3A_310 = arith.addi %mul3A_18, %mul3A_309 : i32
        %dma_wait3A_311 = arith.constant 0 : i32
        %dma_wait3A_312 = arith.constant 0 : i32
        %dma_wait3A_313 = tpu.memref_slice %arg7[%sub3A_114, %dma_wait3A_311, %dma_wait3A_312] : memref<2x4x112xi32, #tpu.memory_space<vmem>> -> memref<1x4x112xi32, #tpu.memory_space<vmem>>
        %dma_wait3A_314 = tpu.memref_squeeze %dma_wait3A_313 : memref<1x4x112xi32, #tpu.memory_space<vmem>> -> memref<4x112xi32, #tpu.memory_space<vmem>>
        %dma_wait3A_315 = arith.constant 0 : i32
        %dma_wait3A_316 = tpu.memref_slice %arg2[%add3A_310, %dma_wait3A_315] : memref<2944x112xi32, #tpu.memory_space<hbm>> -> memref<4x112xi32, #tpu.memory_space<hbm>>
        %dma_wait3A_317 = arith.constant 0 : i32
        %dma_wait3A_318 = arith.constant 0 : i32
        %dma_wait3A_319 = tpu.memref_slice %arg7[%sub3A_114, %dma_wait3A_317, %dma_wait3A_318] : memref<2x4x112xi32, #tpu.memory_space<vmem>> -> memref<1x4x112xi32, #tpu.memory_space<vmem>>
        %dma_wait3A_320 = tpu.memref_squeeze %dma_wait3A_319 : memref<1x4x112xi32, #tpu.memory_space<vmem>> -> memref<4x112xi32, #tpu.memory_space<vmem>>
        %dma_wait3A_321 = arith.constant 0 : i32
        %dma_wait3A_322 = tpu.memref_slice %arg2[%add3A_310, %dma_wait3A_321] : memref<2944x112xi32, #tpu.memory_space<hbm>> -> memref<4x112xi32, #tpu.memory_space<hbm>>
        tpu.wait_dma2 semaphore(%arg13 : memref<!tpu.dma_semaphore, #tpu.memory_space<semaphore_mem>>) src(%dma_wait3A_322 : memref<4x112xi32, #tpu.memory_space<hbm>>) dst(%dma_wait3A_320 : memref<4x112xi32, #tpu.memory_space<vmem>>)
        %mul3A_323 = arith.constant 4 : i32
        %mul3A_324 = arith.muli %add3A_307, %mul3A_323 : i32
        %add3A_325 = arith.addi %mul3A_18, %mul3A_324 : i32
        %dma_wait3A_326 = arith.constant 0 : i32
        %dma_wait3A_327 = arith.constant 0 : i32
        %dma_wait3A_328 = tpu.memref_slice %arg8[%sub3A_114, %dma_wait3A_326, %dma_wait3A_327] : memref<2x4x112xi32, #tpu.memory_space<vmem>> -> memref<1x4x112xi32, #tpu.memory_space<vmem>>
        %dma_wait3A_329 = tpu.memref_squeeze %dma_wait3A_328 : memref<1x4x112xi32, #tpu.memory_space<vmem>> -> memref<4x112xi32, #tpu.memory_space<vmem>>
        %dma_wait3A_330 = arith.constant 0 : i32
        %dma_wait3A_331 = tpu.memref_slice %arg3[%add3A_325, %dma_wait3A_330] : memref<2944x112xi32, #tpu.memory_space<hbm>> -> memref<4x112xi32, #tpu.memory_space<hbm>>
        %dma_wait3A_332 = arith.constant 0 : i32
        %dma_wait3A_333 = arith.constant 0 : i32
        %dma_wait3A_334 = tpu.memref_slice %arg8[%sub3A_114, %dma_wait3A_332, %dma_wait3A_333] : memref<2x4x112xi32, #tpu.memory_space<vmem>> -> memref<1x4x112xi32, #tpu.memory_space<vmem>>
        %dma_wait3A_335 = tpu.memref_squeeze %dma_wait3A_334 : memref<1x4x112xi32, #tpu.memory_space<vmem>> -> memref<4x112xi32, #tpu.memory_space<vmem>>
        %dma_wait3A_336 = arith.constant 0 : i32
        %dma_wait3A_337 = tpu.memref_slice %arg3[%add3A_325, %dma_wait3A_336] : memref<2944x112xi32, #tpu.memory_space<hbm>> -> memref<4x112xi32, #tpu.memory_space<hbm>>
        tpu.wait_dma2 semaphore(%arg13 : memref<!tpu.dma_semaphore, #tpu.memory_space<semaphore_mem>>) src(%dma_wait3A_337 : memref<4x112xi32, #tpu.memory_space<hbm>>) dst(%dma_wait3A_335 : memref<4x112xi32, #tpu.memory_space<vmem>>)
      } else {
      }
      %dma_start3A_238 = arith.constant 3 : i32
      %dma_start3A_239 = arith.constant 1 : i32
      %dma_start3A_240 = arith.constant 0 : i32
      %dma_start3A_241 = arith.constant 0 : i32
      %dma_start3A_242 = tpu.memref_slice %arg9[%dma_start3A_239, %dma_start3A_240, %dma_start3A_241] : memref<2x112x128xf32, #tpu.memory_space<vmem>> -> memref<1x112x128xf32, #tpu.memory_space<vmem>>
      %dma_start3A_243 = tpu.memref_squeeze %dma_start3A_242 : memref<1x112x128xf32, #tpu.memory_space<vmem>> -> memref<112x128xf32, #tpu.memory_space<vmem>>
      %dma_start3A_244 = arith.constant 0 : i32
      %dma_start3A_245 = tpu.memref_slice %arg7[%rem3A_113, %dma_start3A_238, %dma_start3A_244] : memref<2x4x112xi32, #tpu.memory_space<vmem>> -> memref<1x1x112xi32, #tpu.memory_space<vmem>>
      %dma_start3A_246 = tpu.memref_squeeze %dma_start3A_245 : memref<1x1x112xi32, #tpu.memory_space<vmem>> -> memref<112xi32, #tpu.memory_space<vmem>>
      %dma_start3A_247 = arith.constant 0 : i32
      %dma_start3A_248 = arith.constant 0 : i32
      %dma_start3A_249 = tpu.memref_slice %arg4[%dma_start3A_247, %dma_start3A_248] : memref<10000x128xf32, #tpu.memory_space<hbm>> -> memref<10000x128xf32, #tpu.memory_space<hbm>>
      tpu.enqueue_indirect_dma source(%dma_start3A_249 : memref<10000x128xf32, #tpu.memory_space<hbm>>) target(%dma_start3A_243 : memref<112x128xf32, #tpu.memory_space<vmem>>) offsets(%dma_start3A_246 : memref<112xi32, #tpu.memory_space<vmem>>) semaphore(%arg11 : memref<!tpu.dma_semaphore, #tpu.memory_space<semaphore_mem>>)
      %dma_start3A_250 = arith.constant 0 : i32
      %dma_start3A_251 = arith.constant 2 : i32
      %dma_start3A_252 = arith.constant 0 : i32
      %dma_start3A_253 = arith.constant 0 : i32
      %dma_start3A_254 = tpu.memref_slice %arg9[%dma_start3A_250, %dma_start3A_252, %dma_start3A_253] : memref<2x112x128xf32, #tpu.memory_space<vmem>> -> memref<1x112x128xf32, #tpu.memory_space<vmem>>
      %dma_start3A_255 = tpu.memref_squeeze %dma_start3A_254 : memref<1x112x128xf32, #tpu.memory_space<vmem>> -> memref<112x128xf32, #tpu.memory_space<vmem>>
      %dma_start3A_256 = arith.constant 0 : i32
      %dma_start3A_257 = tpu.memref_slice %arg8[%rem3A_113, %dma_start3A_251, %dma_start3A_256] : memref<2x4x112xi32, #tpu.memory_space<vmem>> -> memref<1x1x112xi32, #tpu.memory_space<vmem>>
      %dma_start3A_258 = tpu.memref_squeeze %dma_start3A_257 : memref<1x1x112xi32, #tpu.memory_space<vmem>> -> memref<112xi32, #tpu.memory_space<vmem>>
      %dma_start3A_259 = arith.constant 0 : i32
      %dma_start3A_260 = arith.constant 0 : i32
      %dma_start3A_261 = tpu.memref_slice %arg6[%dma_start3A_259, %dma_start3A_260] : memref<10240x128xf32, #tpu.memory_space<vmem_shared>> -> memref<10240x128xf32, #tpu.memory_space<vmem_shared>>
      tpu.enqueue_indirect_dma source(%dma_start3A_255 : memref<112x128xf32, #tpu.memory_space<vmem>>) target(%dma_start3A_261 : memref<10240x128xf32, #tpu.memory_space<vmem_shared>>) offsets(%dma_start3A_258 : memref<112xi32, #tpu.memory_space<vmem>>) semaphore(%arg12 : memref<!tpu.dma_semaphore, #tpu.memory_space<semaphore_mem>>) {add = true}
      %dma_wait3A_262 = arith.constant 3 : i32
      %dma_wait3A_263 = arith.constant 1 : i32
      %dma_wait3A_264 = arith.constant 0 : i32
      %dma_wait3A_265 = arith.constant 0 : i32
      %dma_wait3A_266 = tpu.memref_slice %arg9[%dma_wait3A_263, %dma_wait3A_264, %dma_wait3A_265] : memref<2x112x128xf32, #tpu.memory_space<vmem>> -> memref<1x112x128xf32, #tpu.memory_space<vmem>>
      %dma_wait3A_267 = tpu.memref_squeeze %dma_wait3A_266 : memref<1x112x128xf32, #tpu.memory_space<vmem>> -> memref<112x128xf32, #tpu.memory_space<vmem>>
      %dma_wait3A_268 = arith.constant 0 : i32
      %dma_wait3A_269 = tpu.memref_slice %arg7[%rem3A_113, %dma_wait3A_262, %dma_wait3A_268] : memref<2x4x112xi32, #tpu.memory_space<vmem>> -> memref<1x1x112xi32, #tpu.memory_space<vmem>>
      %dma_wait3A_270 = tpu.memref_squeeze %dma_wait3A_269 : memref<1x1x112xi32, #tpu.memory_space<vmem>> -> memref<112xi32, #tpu.memory_space<vmem>>
      %dma_wait3A_271 = arith.constant 0 : i32
      %dma_wait3A_272 = arith.constant 0 : i32
      %dma_wait3A_273 = tpu.memref_slice %arg4[%dma_wait3A_271, %dma_wait3A_272] : memref<10000x128xf32, #tpu.memory_space<hbm>> -> memref<10000x128xf32, #tpu.memory_space<hbm>>
      tpu.wait_indirect_dma semaphore(%arg11 : memref<!tpu.dma_semaphore, #tpu.memory_space<semaphore_mem>>) src(%dma_wait3A_273 : memref<10000x128xf32, #tpu.memory_space<hbm>>) dst(%dma_wait3A_267 : memref<112x128xf32, #tpu.memory_space<vmem>>)
      %dma_wait3A_274 = arith.constant 0 : i32
      %dma_wait3A_275 = arith.constant 2 : i32
      %dma_wait3A_276 = arith.constant 0 : i32
      %dma_wait3A_277 = arith.constant 0 : i32
      %dma_wait3A_278 = tpu.memref_slice %arg9[%dma_wait3A_274, %dma_wait3A_276, %dma_wait3A_277] : memref<2x112x128xf32, #tpu.memory_space<vmem>> -> memref<1x112x128xf32, #tpu.memory_space<vmem>>
      %dma_wait3A_279 = tpu.memref_squeeze %dma_wait3A_278 : memref<1x112x128xf32, #tpu.memory_space<vmem>> -> memref<112x128xf32, #tpu.memory_space<vmem>>
      %dma_wait3A_280 = arith.constant 0 : i32
      %dma_wait3A_281 = tpu.memref_slice %arg8[%rem3A_113, %dma_wait3A_275, %dma_wait3A_280] : memref<2x4x112xi32, #tpu.memory_space<vmem>> -> memref<1x1x112xi32, #tpu.memory_space<vmem>>
      %dma_wait3A_282 = tpu.memref_squeeze %dma_wait3A_281 : memref<1x1x112xi32, #tpu.memory_space<vmem>> -> memref<112xi32, #tpu.memory_space<vmem>>
      %dma_wait3A_283 = arith.constant 0 : i32
      %dma_wait3A_284 = arith.constant 0 : i32
      %dma_wait3A_285 = tpu.memref_slice %arg6[%dma_wait3A_283, %dma_wait3A_284] : memref<10240x128xf32, #tpu.memory_space<vmem_shared>> -> memref<10240x128xf32, #tpu.memory_space<vmem_shared>>
      tpu.wait_indirect_dma semaphore(%arg12 : memref<!tpu.dma_semaphore, #tpu.memory_space<semaphore_mem>>) src(%dma_wait3A_279 : memref<112x128xf32, #tpu.memory_space<vmem>>) dst(%dma_wait3A_285 : memref<10240x128xf32, #tpu.memory_space<vmem_shared>>)
      %add3A_286 = arith.constant 1 : i32
      %add3A_287 = arith.addi %scan3A_111, %add3A_286 : i32
      %lt3A_288 = arith.constant 23 : i32
      %lt3A_289 = arith.cmpi slt, %add3A_287, %lt3A_288 : i32
      %convert_element_type3A_290 = arith.extui %lt3A_289 : i1 to i32
      %cond3A_291 = arith.constant 0 : i32
      %cond3A_292 = arith.cmpi ne, %convert_element_type3A_290, %cond3A_291 : i32
      scf.if %cond3A_292 {
        %dma_start3A_306 = arith.constant 0 : i32
        %dma_start3A_307 = arith.constant 0 : i32
        %dma_start3A_308 = arith.constant 0 : i32
        %dma_start3A_309 = arith.constant 0 : i32
        %dma_start3A_310 = tpu.memref_slice %arg9[%dma_start3A_307, %dma_start3A_308, %dma_start3A_309] : memref<2x112x128xf32, #tpu.memory_space<vmem>> -> memref<1x112x128xf32, #tpu.memory_space<vmem>>
        %dma_start3A_311 = tpu.memref_squeeze %dma_start3A_310 : memref<1x112x128xf32, #tpu.memory_space<vmem>> -> memref<112x128xf32, #tpu.memory_space<vmem>>
        %dma_start3A_312 = arith.constant 0 : i32
        %dma_start3A_313 = tpu.memref_slice %arg7[%sub3A_114, %dma_start3A_306, %dma_start3A_312] : memref<2x4x112xi32, #tpu.memory_space<vmem>> -> memref<1x1x112xi32, #tpu.memory_space<vmem>>
        %dma_start3A_314 = tpu.memref_squeeze %dma_start3A_313 : memref<1x1x112xi32, #tpu.memory_space<vmem>> -> memref<112xi32, #tpu.memory_space<vmem>>
        %dma_start3A_315 = arith.constant 0 : i32
        %dma_start3A_316 = arith.constant 0 : i32
        %dma_start3A_317 = tpu.memref_slice %arg4[%dma_start3A_315, %dma_start3A_316] : memref<10000x128xf32, #tpu.memory_space<hbm>> -> memref<10000x128xf32, #tpu.memory_space<hbm>>
        tpu.enqueue_indirect_dma source(%dma_start3A_317 : memref<10000x128xf32, #tpu.memory_space<hbm>>) target(%dma_start3A_311 : memref<112x128xf32, #tpu.memory_space<vmem>>) offsets(%dma_start3A_314 : memref<112xi32, #tpu.memory_space<vmem>>) semaphore(%arg11 : memref<!tpu.dma_semaphore, #tpu.memory_space<semaphore_mem>>)
      } else {
      }
      %dma_start3A_293 = arith.constant 1 : i32
      %dma_start3A_294 = arith.constant 3 : i32
      %dma_start3A_295 = arith.constant 0 : i32
      %dma_start3A_296 = arith.constant 0 : i32
      %dma_start3A_297 = tpu.memref_slice %arg9[%dma_start3A_293, %dma_start3A_295, %dma_start3A_296] : memref<2x112x128xf32, #tpu.memory_space<vmem>> -> memref<1x112x128xf32, #tpu.memory_space<vmem>>
      %dma_start3A_298 = tpu.memref_squeeze %dma_start3A_297 : memref<1x112x128xf32, #tpu.memory_space<vmem>> -> memref<112x128xf32, #tpu.memory_space<vmem>>
      %dma_start3A_299 = arith.constant 0 : i32
      %dma_start3A_300 = tpu.memref_slice %arg8[%rem3A_113, %dma_start3A_294, %dma_start3A_299] : memref<2x4x112xi32, #tpu.memory_space<vmem>> -> memref<1x1x112xi32, #tpu.memory_space<vmem>>
      %dma_start3A_301 = tpu.memref_squeeze %dma_start3A_300 : memref<1x1x112xi32, #tpu.memory_space<vmem>> -> memref<112xi32, #tpu.memory_space<vmem>>
      %dma_start3A_302 = arith.constant 0 : i32
      %dma_start3A_303 = arith.constant 0 : i32
      %dma_start3A_304 = tpu.memref_slice %arg6[%dma_start3A_302, %dma_start3A_303] : memref<10240x128xf32, #tpu.memory_space<vmem_shared>> -> memref<10240x128xf32, #tpu.memory_space<vmem_shared>>
      tpu.enqueue_indirect_dma source(%dma_start3A_298 : memref<112x128xf32, #tpu.memory_space<vmem>>) target(%dma_start3A_304 : memref<10240x128xf32, #tpu.memory_space<vmem_shared>>) offsets(%dma_start3A_301 : memref<112xi32, #tpu.memory_space<vmem>>) semaphore(%arg12 : memref<!tpu.dma_semaphore, #tpu.memory_space<semaphore_mem>>) {add = true}
      %scan3A_305 = arith.constant 0 : i32
      scf.yield %scan3A_305 : i32
    }
    %scan3A_96 = arith.constant 23 : i32
    %dma_wait3A_97 = arith.constant 1 : i32
    %dma_wait3A_98 = arith.constant 0 : i32
    %dma_wait3A_99 = arith.constant 3 : i32
    %dma_wait3A_100 = arith.constant 0 : i32
    %dma_wait3A_101 = arith.constant 0 : i32
    %dma_wait3A_102 = tpu.memref_slice %arg9[%dma_wait3A_97, %dma_wait3A_100, %dma_wait3A_101] : memref<2x112x128xf32, #tpu.memory_space<vmem>> -> memref<1x112x128xf32, #tpu.memory_space<vmem>>
    %dma_wait3A_103 = tpu.memref_squeeze %dma_wait3A_102 : memref<1x112x128xf32, #tpu.memory_space<vmem>> -> memref<112x128xf32, #tpu.memory_space<vmem>>
    %dma_wait3A_104 = arith.constant 0 : i32
    %dma_wait3A_105 = tpu.memref_slice %arg8[%dma_wait3A_98, %dma_wait3A_99, %dma_wait3A_104] : memref<2x4x112xi32, #tpu.memory_space<vmem>> -> memref<1x1x112xi32, #tpu.memory_space<vmem>>
    %dma_wait3A_106 = tpu.memref_squeeze %dma_wait3A_105 : memref<1x1x112xi32, #tpu.memory_space<vmem>> -> memref<112xi32, #tpu.memory_space<vmem>>
    %dma_wait3A_107 = arith.constant 0 : i32
    %dma_wait3A_108 = arith.constant 0 : i32
    %dma_wait3A_109 = tpu.memref_slice %arg6[%dma_wait3A_107, %dma_wait3A_108] : memref<10240x128xf32, #tpu.memory_space<vmem_shared>> -> memref<10240x128xf32, #tpu.memory_space<vmem_shared>>
    tpu.wait_indirect_dma semaphore(%arg12 : memref<!tpu.dma_semaphore, #tpu.memory_space<semaphore_mem>>) src(%dma_wait3A_103 : memref<112x128xf32, #tpu.memory_space<vmem>>) dst(%dma_wait3A_109 : memref<10240x128xf32, #tpu.memory_space<vmem_shared>>)
    %barrier3A_110 = arith.constant 0 : index
    tpu.barrier barrier_id(%barrier3A_110)
    "tpu.region"() ({
      %run_scoped3A = tpu.sem_alloc : memref<!tpu.dma_semaphore, #tpu.memory_space<semaphore_mem>>
      %dma_start3A_111 = arith.constant 0 : i32
      %dma_start3A_112 = tpu.memref_slice %arg5[%arg0, %mul3A_9, %dma_start3A_111] : memref<2x10240x128xf32, #tpu.memory_space<hbm>> -> memref<1x640x128xf32, #tpu.memory_space<hbm>>
      %dma_start3A_113 = tpu.memref_squeeze %dma_start3A_112 : memref<1x640x128xf32, #tpu.memory_space<hbm>> -> memref<640x128xf32, #tpu.memory_space<hbm>>
      %dma_start3A_114 = arith.constant 0 : i32
      %dma_start3A_115 = tpu.memref_slice %arg6[%mul3A_9, %dma_start3A_114] : memref<10240x128xf32, #tpu.memory_space<vmem_shared>> -> memref<640x128xf32, #tpu.memory_space<vmem_shared>>
      tpu.enqueue_dma source(%dma_start3A_115 : memref<640x128xf32, #tpu.memory_space<vmem_shared>>) target(%dma_start3A_113 : memref<640x128xf32, #tpu.memory_space<hbm>>) target_semaphore(%run_scoped3A : memref<!tpu.dma_semaphore, #tpu.memory_space<semaphore_mem>>)
      %dma_wait3A_116 = arith.constant 0 : i32
      %dma_wait3A_117 = tpu.memref_slice %arg5[%arg0, %mul3A_9, %dma_wait3A_116] : memref<2x10240x128xf32, #tpu.memory_space<hbm>> -> memref<1x640x128xf32, #tpu.memory_space<hbm>>
      %dma_wait3A_118 = tpu.memref_squeeze %dma_wait3A_117 : memref<1x640x128xf32, #tpu.memory_space<hbm>> -> memref<640x128xf32, #tpu.memory_space<hbm>>
      %dma_wait3A_119 = arith.constant 0 : i32
      %dma_wait3A_120 = tpu.memref_slice %arg6[%mul3A_9, %dma_wait3A_119] : memref<10240x128xf32, #tpu.memory_space<vmem_shared>> -> memref<640x128xf32, #tpu.memory_space<vmem_shared>>
      tpu.wait_dma2 semaphore(%run_scoped3A : memref<!tpu.dma_semaphore, #tpu.memory_space<semaphore_mem>>) src(%dma_wait3A_120 : memref<640x128xf32, #tpu.memory_space<vmem_shared>>) dst(%dma_wait3A_118 : memref<640x128xf32, #tpu.memory_space<hbm>>)
      tpu.yield
    }) : () -> ()
    return
  }
}

#map = affine_map<(d0, d1) -> (0, 0)>
#map1 = affine_map<(d0, d1) -> (0, 0, 0)>
module attributes {stable_mosaic.version = 14 : i64} {
  func.func @seg_sum(%arg0: i32, %arg1: i32, %arg2: memref<2944x112xi32, #tpu.memory_space<hbm>>, %arg3: memref<2944x112xi32, #tpu.memory_space<hbm>>, %arg4: memref<10000x144xf32, #tpu.memory_space<hbm>>, %arg5: memref<2x10240x144xf32, #tpu.memory_space<hbm>>, %arg6: memref<10240x144xf32, #tpu.memory_space<vmem_shared>>, %arg7: memref<2x4x112xi32, #tpu.memory_space<vmem>>, %arg8: memref<2x4x112xi32, #tpu.memory_space<vmem>>, %arg9: memref<2x112x144xf32, #tpu.memory_space<vmem>>, %arg10: memref<16x144xf32, #tpu.memory_space<vmem>>, %arg11: memref<!tpu.dma_semaphore, #tpu.memory_space<semaphore_mem>>, %arg12: memref<!tpu.dma_semaphore, #tpu.memory_space<semaphore_mem>>, %arg13: memref<!tpu.dma_semaphore, #tpu.memory_space<semaphore_mem>>) attributes {dimension_semantics = [#tpu.dimension_semantics<core_parallel>, #tpu.dimension_semantics<subcore_parallel>], iteration_bounds = array<i64: 2, 16>, scalar_prefetch = 0 : i64, scratch_operands = 8 : i64, tpu.core_type = #tpu.core_type<sc_vector_subcore>, window_params = [{transform_indices = #map}, {transform_indices = #map}, {transform_indices = #map}, {transform_indices = #map1}]} {
    %mul3A = arith.constant 16 : i32
    %mul3A_0 = arith.muli %arg0, %mul3A : i32
    %add3A = arith.addi %mul3A_0, %arg1 : i32
    %broadcast_in_dim3A = arith.constant 0.000000e+00 : f32
    %broadcast_in_dim3A_1 = vector.broadcast %broadcast_in_dim3A : f32 to vector<16xf32>
    %scan3A = arith.constant 0 : i32
    %scan3A_2 = arith.constant 0 : i32
    %scan3A_3 = arith.constant 16 : i32
    %scan3A_4 = arith.addi %scan3A_2, %scan3A_3 : i32
    %scan3A_5 = arith.constant 1 : i32
    %scan3A_6 = scf.for %scan3A_111 = %scan3A_2 to %scan3A_4 step %scan3A_5 iter_args(%scan3A_112 = %scan3A) -> (i32)  : i32 {
      %swap3A = arith.index_cast %scan3A_111 : i32 to index
      %swap3A_113 = arith.constant 0 : index
      %swap3A_114 = tpu.vector_load %arg10[%swap3A, %swap3A_113] {strides = array<i32>} : memref<16x144xf32, #tpu.memory_space<vmem>>, vector<1x16xf32>,
      %swap3A_115 = vector.shape_cast %swap3A_114 : vector<1x16xf32> to vector<16xf32>
      %swap3A_116 = vector.shape_cast %broadcast_in_dim3A_1 : vector<16xf32> to vector<1x16xf32>
      tpu.vector_store %arg10[%swap3A, %swap3A_113], %swap3A_116 {strides = array<i32>} : memref<16x144xf32, #tpu.memory_space<vmem>>, vector<1x16xf32>,
      %swap3A_117 = arith.index_cast %scan3A_111 : i32 to index
      %swap3A_118 = arith.constant 16 : index
      %swap3A_119 = tpu.vector_load %arg10[%swap3A_117, %swap3A_118] {strides = array<i32>} : memref<16x144xf32, #tpu.memory_space<vmem>>, vector<1x16xf32>,
      %swap3A_120 = vector.shape_cast %swap3A_119 : vector<1x16xf32> to vector<16xf32>
      %swap3A_121 = vector.shape_cast %broadcast_in_dim3A_1 : vector<16xf32> to vector<1x16xf32>
      tpu.vector_store %arg10[%swap3A_117, %swap3A_118], %swap3A_121 {strides = array<i32>} : memref<16x144xf32, #tpu.memory_space<vmem>>, vector<1x16xf32>,
      %swap3A_122 = arith.index_cast %scan3A_111 : i32 to index
      %swap3A_123 = arith.constant 32 : index
      %swap3A_124 = tpu.vector_load %arg10[%swap3A_122, %swap3A_123] {strides = array<i32>} : memref<16x144xf32, #tpu.memory_space<vmem>>, vector<1x16xf32>,
      %swap3A_125 = vector.shape_cast %swap3A_124 : vector<1x16xf32> to vector<16xf32>
      %swap3A_126 = vector.shape_cast %broadcast_in_dim3A_1 : vector<16xf32> to vector<1x16xf32>
      tpu.vector_store %arg10[%swap3A_122, %swap3A_123], %swap3A_126 {strides = array<i32>} : memref<16x144xf32, #tpu.memory_space<vmem>>, vector<1x16xf32>,
      %swap3A_127 = arith.index_cast %scan3A_111 : i32 to index
      %swap3A_128 = arith.constant 48 : index
      %swap3A_129 = tpu.vector_load %arg10[%swap3A_127, %swap3A_128] {strides = array<i32>} : memref<16x144xf32, #tpu.memory_space<vmem>>, vector<1x16xf32>,
      %swap3A_130 = vector.shape_cast %swap3A_129 : vector<1x16xf32> to vector<16xf32>
      %swap3A_131 = vector.shape_cast %broadcast_in_dim3A_1 : vector<16xf32> to vector<1x16xf32>
      tpu.vector_store %arg10[%swap3A_127, %swap3A_128], %swap3A_131 {strides = array<i32>} : memref<16x144xf32, #tpu.memory_space<vmem>>, vector<1x16xf32>,
      %swap3A_132 = arith.index_cast %scan3A_111 : i32 to index
      %swap3A_133 = arith.constant 64 : index
      %swap3A_134 = tpu.vector_load %arg10[%swap3A_132, %swap3A_133] {strides = array<i32>} : memref<16x144xf32, #tpu.memory_space<vmem>>, vector<1x16xf32>,
      %swap3A_135 = vector.shape_cast %swap3A_134 : vector<1x16xf32> to vector<16xf32>
      %swap3A_136 = vector.shape_cast %broadcast_in_dim3A_1 : vector<16xf32> to vector<1x16xf32>
      tpu.vector_store %arg10[%swap3A_132, %swap3A_133], %swap3A_136 {strides = array<i32>} : memref<16x144xf32, #tpu.memory_space<vmem>>, vector<1x16xf32>,
      %swap3A_137 = arith.index_cast %scan3A_111 : i32 to index
      %swap3A_138 = arith.constant 80 : index
      %swap3A_139 = tpu.vector_load %arg10[%swap3A_137, %swap3A_138] {strides = array<i32>} : memref<16x144xf32, #tpu.memory_space<vmem>>, vector<1x16xf32>,
      %swap3A_140 = vector.shape_cast %swap3A_139 : vector<1x16xf32> to vector<16xf32>
      %swap3A_141 = vector.shape_cast %broadcast_in_dim3A_1 : vector<16xf32> to vector<1x16xf32>
      tpu.vector_store %arg10[%swap3A_137, %swap3A_138], %swap3A_141 {strides = array<i32>} : memref<16x144xf32, #tpu.memory_space<vmem>>, vector<1x16xf32>,
      %swap3A_142 = arith.index_cast %scan3A_111 : i32 to index
      %swap3A_143 = arith.constant 96 : index
      %swap3A_144 = tpu.vector_load %arg10[%swap3A_142, %swap3A_143] {strides = array<i32>} : memref<16x144xf32, #tpu.memory_space<vmem>>, vector<1x16xf32>,
      %swap3A_145 = vector.shape_cast %swap3A_144 : vector<1x16xf32> to vector<16xf32>
      %swap3A_146 = vector.shape_cast %broadcast_in_dim3A_1 : vector<16xf32> to vector<1x16xf32>
      tpu.vector_store %arg10[%swap3A_142, %swap3A_143], %swap3A_146 {strides = array<i32>} : memref<16x144xf32, #tpu.memory_space<vmem>>, vector<1x16xf32>,
      %swap3A_147 = arith.index_cast %scan3A_111 : i32 to index
      %swap3A_148 = arith.constant 112 : index
      %swap3A_149 = tpu.vector_load %arg10[%swap3A_147, %swap3A_148] {strides = array<i32>} : memref<16x144xf32, #tpu.memory_space<vmem>>, vector<1x16xf32>,
      %swap3A_150 = vector.shape_cast %swap3A_149 : vector<1x16xf32> to vector<16xf32>
      %swap3A_151 = vector.shape_cast %broadcast_in_dim3A_1 : vector<16xf32> to vector<1x16xf32>
      tpu.vector_store %arg10[%swap3A_147, %swap3A_148], %swap3A_151 {strides = array<i32>} : memref<16x144xf32, #tpu.memory_space<vmem>>, vector<1x16xf32>,
      %swap3A_152 = arith.index_cast %scan3A_111 : i32 to index
      %swap3A_153 = arith.constant 128 : index
      %swap3A_154 = tpu.vector_load %arg10[%swap3A_152, %swap3A_153] {strides = array<i32>} : memref<16x144xf32, #tpu.memory_space<vmem>>, vector<1x16xf32>,
      %swap3A_155 = vector.shape_cast %swap3A_154 : vector<1x16xf32> to vector<16xf32>
      %swap3A_156 = vector.shape_cast %broadcast_in_dim3A_1 : vector<16xf32> to vector<1x16xf32>
      tpu.vector_store %arg10[%swap3A_152, %swap3A_153], %swap3A_156 {strides = array<i32>} : memref<16x144xf32, #tpu.memory_space<vmem>>, vector<1x16xf32>,
      %scan3A_157 = arith.constant 0 : i32
      scf.yield %scan3A_157 : i32
    }
    %scan3A_7 = arith.constant 16 : i32
    %mul3A_8 = arith.constant 640 : i32
    %mul3A_9 = arith.muli %arg1, %mul3A_8 : i32
    %scan3A_10 = arith.constant 0 : i32
    %scan3A_11 = arith.constant 0 : i32
    %scan3A_12 = arith.constant 40 : i32
    %scan3A_13 = arith.addi %scan3A_11, %scan3A_12 : i32
    %scan3A_14 = arith.constant 1 : i32
    %scan3A_15 = scf.for %scan3A_111 = %scan3A_11 to %scan3A_13 step %scan3A_14 iter_args(%scan3A_112 = %scan3A_10) -> (i32)  : i32 {
      %mul3A_113 = arith.constant 16 : i32
      %mul3A_114 = arith.muli %scan3A_111, %mul3A_113 : i32
      %add3A_115 = arith.addi %mul3A_9, %mul3A_114 : i32
      "tpu.region"() ({
        %run_scoped3A = tpu.sem_alloc : memref<!tpu.dma_semaphore, #tpu.memory_space<semaphore_mem>>
        %dma_start3A_117 = arith.constant 0 : i32
        %dma_start3A_118 = tpu.memref_slice %arg6[%add3A_115, %dma_start3A_117] : memref<10240x144xf32, #tpu.memory_space<vmem_shared>> -> memref<16x144xf32, #tpu.memory_space<vmem_shared>>
        %dma_start3A_119 = arith.constant 0 : i32
        %dma_start3A_120 = tpu.memref_slice %arg6[%add3A_115, %dma_start3A_119] : memref<10240x144xf32, #tpu.memory_space<vmem_shared>> -> memref<16x144xf32, #tpu.memory_space<vmem_shared>>
        tpu.enqueue_dma source(%arg10 : memref<16x144xf32, #tpu.memory_space<vmem>>) target(%dma_start3A_120 : memref<16x144xf32, #tpu.memory_space<vmem_shared>>) target_semaphore(%run_scoped3A : memref<!tpu.dma_semaphore, #tpu.memory_space<semaphore_mem>>)
        %dma_wait3A_121 = arith.constant 0 : i32
        %dma_wait3A_122 = tpu.memref_slice %arg6[%add3A_115, %dma_wait3A_121] : memref<10240x144xf32, #tpu.memory_space<vmem_shared>> -> memref<16x144xf32, #tpu.memory_space<vmem_shared>>
        %dma_wait3A_123 = arith.constant 0 : i32
        %dma_wait3A_124 = tpu.memref_slice %arg6[%add3A_115, %dma_wait3A_123] : memref<10240x144xf32, #tpu.memory_space<vmem_shared>> -> memref<16x144xf32, #tpu.memory_space<vmem_shared>>
        tpu.wait_dma2 semaphore(%run_scoped3A : memref<!tpu.dma_semaphore, #tpu.memory_space<semaphore_mem>>) src(%arg10 : memref<16x144xf32, #tpu.memory_space<vmem>>) dst(%dma_wait3A_124 : memref<16x144xf32, #tpu.memory_space<vmem_shared>>)
        tpu.yield
      }) : () -> ()
      %scan3A_116 = arith.constant 0 : i32
      scf.yield %scan3A_116 : i32
    }
    %scan3A_16 = arith.constant 40 : i32
    %barrier3A = arith.constant 0 : index
    tpu.barrier barrier_id(%barrier3A)
    %mul3A_17 = arith.constant 92 : i32
    %mul3A_18 = arith.muli %add3A, %mul3A_17 : i32
    %add3A_19 = arith.constant 0 : i32
    %add3A_20 = arith.addi %mul3A_18, %add3A_19 : i32
    %dma_start3A = arith.constant 0 : i32
    %dma_start3A_21 = arith.constant 0 : i32
    %dma_start3A_22 = arith.constant 0 : i32
    %dma_start3A_23 = tpu.memref_slice %arg7[%dma_start3A, %dma_start3A_21, %dma_start3A_22] : memref<2x4x112xi32, #tpu.memory_space<vmem>> -> memref<1x4x112xi32, #tpu.memory_space<vmem>>
    %dma_start3A_24 = tpu.memref_squeeze %dma_start3A_23 : memref<1x4x112xi32, #tpu.memory_space<vmem>> -> memref<4x112xi32, #tpu.memory_space<vmem>>
    %dma_start3A_25 = arith.constant 0 : i32
    %dma_start3A_26 = tpu.memref_slice %arg2[%add3A_20, %dma_start3A_25] : memref<2944x112xi32, #tpu.memory_space<hbm>> -> memref<4x112xi32, #tpu.memory_space<hbm>>
    %dma_start3A_27 = arith.constant 0 : i32
    %dma_start3A_28 = arith.constant 0 : i32
    %dma_start3A_29 = tpu.memref_slice %arg7[%dma_start3A, %dma_start3A_27, %dma_start3A_28] : memref<2x4x112xi32, #tpu.memory_space<vmem>> -> memref<1x4x112xi32, #tpu.memory_space<vmem>>
    %dma_start3A_30 = tpu.memref_squeeze %dma_start3A_29 : memref<1x4x112xi32, #tpu.memory_space<vmem>> -> memref<4x112xi32, #tpu.memory_space<vmem>>
    %dma_start3A_31 = arith.constant 0 : i32
    %dma_start3A_32 = tpu.memref_slice %arg2[%add3A_20, %dma_start3A_31] : memref<2944x112xi32, #tpu.memory_space<hbm>> -> memref<4x112xi32, #tpu.memory_space<hbm>>
    tpu.enqueue_dma source(%dma_start3A_32 : memref<4x112xi32, #tpu.memory_space<hbm>>) target(%dma_start3A_30 : memref<4x112xi32, #tpu.memory_space<vmem>>) target_semaphore(%arg13 : memref<!tpu.dma_semaphore, #tpu.memory_space<semaphore_mem>>)
    %add3A_33 = arith.constant 0 : i32
    %add3A_34 = arith.addi %mul3A_18, %add3A_33 : i32
    %dma_start3A_35 = arith.constant 0 : i32
    %dma_start3A_36 = arith.constant 0 : i32
    %dma_start3A_37 = arith.constant 0 : i32
    %dma_start3A_38 = tpu.memref_slice %arg8[%dma_start3A_35, %dma_start3A_36, %dma_start3A_37] : memref<2x4x112xi32, #tpu.memory_space<vmem>> -> memref<1x4x112xi32, #tpu.memory_space<vmem>>
    %dma_start3A_39 = tpu.memref_squeeze %dma_start3A_38 : memref<1x4x112xi32, #tpu.memory_space<vmem>> -> memref<4x112xi32, #tpu.memory_space<vmem>>
    %dma_start3A_40 = arith.constant 0 : i32
    %dma_start3A_41 = tpu.memref_slice %arg3[%add3A_34, %dma_start3A_40] : memref<2944x112xi32, #tpu.memory_space<hbm>> -> memref<4x112xi32, #tpu.memory_space<hbm>>
    %dma_start3A_42 = arith.constant 0 : i32
    %dma_start3A_43 = arith.constant 0 : i32
    %dma_start3A_44 = tpu.memref_slice %arg8[%dma_start3A_35, %dma_start3A_42, %dma_start3A_43] : memref<2x4x112xi32, #tpu.memory_space<vmem>> -> memref<1x4x112xi32, #tpu.memory_space<vmem>>
    %dma_start3A_45 = tpu.memref_squeeze %dma_start3A_44 : memref<1x4x112xi32, #tpu.memory_space<vmem>> -> memref<4x112xi32, #tpu.memory_space<vmem>>
    %dma_start3A_46 = arith.constant 0 : i32
    %dma_start3A_47 = tpu.memref_slice %arg3[%add3A_34, %dma_start3A_46] : memref<2944x112xi32, #tpu.memory_space<hbm>> -> memref<4x112xi32, #tpu.memory_space<hbm>>
    tpu.enqueue_dma source(%dma_start3A_47 : memref<4x112xi32, #tpu.memory_space<hbm>>) target(%dma_start3A_45 : memref<4x112xi32, #tpu.memory_space<vmem>>) target_semaphore(%arg13 : memref<!tpu.dma_semaphore, #tpu.memory_space<semaphore_mem>>)
    %add3A_48 = arith.constant 0 : i32
    %add3A_49 = arith.addi %mul3A_18, %add3A_48 : i32
    %dma_wait3A = arith.constant 0 : i32
    %dma_wait3A_50 = arith.constant 0 : i32
    %dma_wait3A_51 = arith.constant 0 : i32
    %dma_wait3A_52 = tpu.memref_slice %arg7[%dma_wait3A, %dma_wait3A_50, %dma_wait3A_51] : memref<2x4x112xi32, #tpu.memory_space<vmem>> -> memref<1x4x112xi32, #tpu.memory_space<vmem>>
    %dma_wait3A_53 = tpu.memref_squeeze %dma_wait3A_52 : memref<1x4x112xi32, #tpu.memory_space<vmem>> -> memref<4x112xi32, #tpu.memory_space<vmem>>
    %dma_wait3A_54 = arith.constant 0 : i32
    %dma_wait3A_55 = tpu.memref_slice %arg2[%add3A_49, %dma_wait3A_54] : memref<2944x112xi32, #tpu.memory_space<hbm>> -> memref<4x112xi32, #tpu.memory_space<hbm>>
    %dma_wait3A_56 = arith.constant 0 : i32
    %dma_wait3A_57 = arith.constant 0 : i32
    %dma_wait3A_58 = tpu.memref_slice %arg7[%dma_wait3A, %dma_wait3A_56, %dma_wait3A_57] : memref<2x4x112xi32, #tpu.memory_space<vmem>> -> memref<1x4x112xi32, #tpu.memory_space<vmem>>
    %dma_wait3A_59 = tpu.memref_squeeze %dma_wait3A_58 : memref<1x4x112xi32, #tpu.memory_space<vmem>> -> memref<4x112xi32, #tpu.memory_space<vmem>>
    %dma_wait3A_60 = arith.constant 0 : i32
    %dma_wait3A_61 = tpu.memref_slice %arg2[%add3A_49, %dma_wait3A_60] : memref<2944x112xi32, #tpu.memory_space<hbm>> -> memref<4x112xi32, #tpu.memory_space<hbm>>
    tpu.wait_dma2 semaphore(%arg13 : memref<!tpu.dma_semaphore, #tpu.memory_space<semaphore_mem>>) src(%dma_wait3A_61 : memref<4x112xi32, #tpu.memory_space<hbm>>) dst(%dma_wait3A_59 : memref<4x112xi32, #tpu.memory_space<vmem>>)
    %add3A_62 = arith.constant 0 : i32
    %add3A_63 = arith.addi %mul3A_18, %add3A_62 : i32
    %dma_wait3A_64 = arith.constant 0 : i32
    %dma_wait3A_65 = arith.constant 0 : i32
    %dma_wait3A_66 = arith.constant 0 : i32
    %dma_wait3A_67 = tpu.memref_slice %arg8[%dma_wait3A_64, %dma_wait3A_65, %dma_wait3A_66] : memref<2x4x112xi32, #tpu.memory_space<vmem>> -> memref<1x4x112xi32, #tpu.memory_space<vmem>>
    %dma_wait3A_68 = tpu.memref_squeeze %dma_wait3A_67 : memref<1x4x112xi32, #tpu.memory_space<vmem>> -> memref<4x112xi32, #tpu.memory_space<vmem>>
    %dma_wait3A_69 = arith.constant 0 : i32
    %dma_wait3A_70 = tpu.memref_slice %arg3[%add3A_63, %dma_wait3A_69] : memref<2944x112xi32, #tpu.memory_space<hbm>> -> memref<4x112xi32, #tpu.memory_space<hbm>>
    %dma_wait3A_71 = arith.constant 0 : i32
    %dma_wait3A_72 = arith.constant 0 : i32
    %dma_wait3A_73 = tpu.memref_slice %arg8[%dma_wait3A_64, %dma_wait3A_71, %dma_wait3A_72] : memref<2x4x112xi32, #tpu.memory_space<vmem>> -> memref<1x4x112xi32, #tpu.memory_space<vmem>>
    %dma_wait3A_74 = tpu.memref_squeeze %dma_wait3A_73 : memref<1x4x112xi32, #tpu.memory_space<vmem>> -> memref<4x112xi32, #tpu.memory_space<vmem>>
    %dma_wait3A_75 = arith.constant 0 : i32
    %dma_wait3A_76 = tpu.memref_slice %arg3[%add3A_63, %dma_wait3A_75] : memref<2944x112xi32, #tpu.memory_space<hbm>> -> memref<4x112xi32, #tpu.memory_space<hbm>>
    tpu.wait_dma2 semaphore(%arg13 : memref<!tpu.dma_semaphore, #tpu.memory_space<semaphore_mem>>) src(%dma_wait3A_76 : memref<4x112xi32, #tpu.memory_space<hbm>>) dst(%dma_wait3A_74 : memref<4x112xi32, #tpu.memory_space<vmem>>)
    %dma_start3A_77 = arith.constant 0 : i32
    %dma_start3A_78 = arith.constant 0 : i32
    %dma_start3A_79 = arith.constant 0 : i32
    %dma_start3A_80 = arith.constant 0 : i32
    %dma_start3A_81 = arith.constant 0 : i32
    %dma_start3A_82 = tpu.memref_slice %arg9[%dma_start3A_79, %dma_start3A_80, %dma_start3A_81] : memref<2x112x144xf32, #tpu.memory_space<vmem>> -> memref<1x112x144xf32, #tpu.memory_space<vmem>>
    %dma_start3A_83 = tpu.memref_squeeze %dma_start3A_82 : memref<1x112x144xf32, #tpu.memory_space<vmem>> -> memref<112x144xf32, #tpu.memory_space<vmem>>
    %dma_start3A_84 = arith.constant 0 : i32
    %dma_start3A_85 = tpu.memref_slice %arg7[%dma_start3A_77, %dma_start3A_78, %dma_start3A_84] : memref<2x4x112xi32, #tpu.memory_space<vmem>> -> memref<1x1x112xi32, #tpu.memory_space<vmem>>
    %dma_start3A_86 = tpu.memref_squeeze %dma_start3A_85 : memref<1x1x112xi32, #tpu.memory_space<vmem>> -> memref<112xi32, #tpu.memory_space<vmem>>
    %dma_start3A_87 = arith.constant 0 : i32
    %dma_start3A_88 = arith.constant 0 : i32
    %dma_start3A_89 = tpu.memref_slice %arg4[%dma_start3A_87, %dma_start3A_88] : memref<10000x144xf32, #tpu.memory_space<hbm>> -> memref<10000x144xf32, #tpu.memory_space<hbm>>
    tpu.enqueue_indirect_dma source(%dma_start3A_89 : memref<10000x144xf32, #tpu.memory_space<hbm>>) target(%dma_start3A_83 : memref<112x144xf32, #tpu.memory_space<vmem>>) offsets(%dma_start3A_86 : memref<112xi32, #tpu.memory_space<vmem>>) semaphore(%arg11 : memref<!tpu.dma_semaphore, #tpu.memory_space<semaphore_mem>>)
    %scan3A_90 = arith.constant 0 : i32
    %scan3A_91 = arith.constant 0 : i32
    %scan3A_92 = arith.constant 23 : i32
    %scan3A_93 = arith.addi %scan3A_91, %scan3A_92 : i32
    %scan3A_94 = arith.constant 1 : i32
    %scan3A_95 = scf.for %scan3A_111 = %scan3A_91 to %scan3A_93 step %scan3A_94 iter_args(%scan3A_112 = %scan3A_90) -> (i32)  : i32 {
      %rem3A = arith.constant 2 : i32
      %rem3A_113 = arith.remsi %scan3A_111, %rem3A : i32
      %sub3A = arith.constant 1 : i32
      %sub3A_114 = arith.subi %sub3A, %rem3A_113 : i32
      %dma_wait3A_115 = arith.constant 0 : i32
      %dma_wait3A_116 = arith.constant 0 : i32
      %dma_wait3A_117 = arith.constant 0 : i32
      %dma_wait3A_118 = arith.constant 0 : i32
      %dma_wait3A_119 = tpu.memref_slice %arg9[%dma_wait3A_116, %dma_wait3A_117, %dma_wait3A_118] : memref<2x112x144xf32, #tpu.memory_space<vmem>> -> memref<1x112x144xf32, #tpu.memory_space<vmem>>
      %dma_wait3A_120 = tpu.memref_squeeze %dma_wait3A_119 : memref<1x112x144xf32, #tpu.memory_space<vmem>> -> memref<112x144xf32, #tpu.memory_space<vmem>>
      %dma_wait3A_121 = arith.constant 0 : i32
      %dma_wait3A_122 = tpu.memref_slice %arg7[%rem3A_113, %dma_wait3A_115, %dma_wait3A_121] : memref<2x4x112xi32, #tpu.memory_space<vmem>> -> memref<1x1x112xi32, #tpu.memory_space<vmem>>
      %dma_wait3A_123 = tpu.memref_squeeze %dma_wait3A_122 : memref<1x1x112xi32, #tpu.memory_space<vmem>> -> memref<112xi32, #tpu.memory_space<vmem>>
      %dma_wait3A_124 = arith.constant 0 : i32
      %dma_wait3A_125 = arith.constant 0 : i32
      %dma_wait3A_126 = tpu.memref_slice %arg4[%dma_wait3A_124, %dma_wait3A_125] : memref<10000x144xf32, #tpu.memory_space<hbm>> -> memref<10000x144xf32, #tpu.memory_space<hbm>>
      tpu.wait_indirect_dma semaphore(%arg11 : memref<!tpu.dma_semaphore, #tpu.memory_space<semaphore_mem>>) src(%dma_wait3A_126 : memref<10000x144xf32, #tpu.memory_space<hbm>>) dst(%dma_wait3A_120 : memref<112x144xf32, #tpu.memory_space<vmem>>)
      %gt3A = arith.constant 0 : i32
      %gt3A_127 = arith.cmpi sgt, %scan3A_111, %gt3A : i32
      %convert_element_type3A = arith.extui %gt3A_127 : i1 to i32
      %cond3A = arith.constant 0 : i32
      %cond3A_128 = arith.cmpi ne, %convert_element_type3A, %cond3A : i32
      scf.if %cond3A_128 {
        %dma_wait3A_306 = arith.constant 1 : i32
        %dma_wait3A_307 = arith.constant 3 : i32
        %dma_wait3A_308 = arith.constant 0 : i32
        %dma_wait3A_309 = arith.constant 0 : i32
        %dma_wait3A_310 = tpu.memref_slice %arg9[%dma_wait3A_306, %dma_wait3A_308, %dma_wait3A_309] : memref<2x112x144xf32, #tpu.memory_space<vmem>> -> memref<1x112x144xf32, #tpu.memory_space<vmem>>
        %dma_wait3A_311 = tpu.memref_squeeze %dma_wait3A_310 : memref<1x112x144xf32, #tpu.memory_space<vmem>> -> memref<112x144xf32, #tpu.memory_space<vmem>>
        %dma_wait3A_312 = arith.constant 0 : i32
        %dma_wait3A_313 = tpu.memref_slice %arg8[%sub3A_114, %dma_wait3A_307, %dma_wait3A_312] : memref<2x4x112xi32, #tpu.memory_space<vmem>> -> memref<1x1x112xi32, #tpu.memory_space<vmem>>
        %dma_wait3A_314 = tpu.memref_squeeze %dma_wait3A_313 : memref<1x1x112xi32, #tpu.memory_space<vmem>> -> memref<112xi32, #tpu.memory_space<vmem>>
        %dma_wait3A_315 = arith.constant 0 : i32
        %dma_wait3A_316 = arith.constant 0 : i32
        %dma_wait3A_317 = tpu.memref_slice %arg6[%dma_wait3A_315, %dma_wait3A_316] : memref<10240x144xf32, #tpu.memory_space<vmem_shared>> -> memref<10240x144xf32, #tpu.memory_space<vmem_shared>>
        tpu.wait_indirect_dma semaphore(%arg12 : memref<!tpu.dma_semaphore, #tpu.memory_space<semaphore_mem>>) src(%dma_wait3A_311 : memref<112x144xf32, #tpu.memory_space<vmem>>) dst(%dma_wait3A_317 : memref<10240x144xf32, #tpu.memory_space<vmem_shared>>)
      } else {
      }
      %add3A_129 = arith.constant 1 : i32
      %add3A_130 = arith.addi %scan3A_111, %add3A_129 : i32
      %lt3A = arith.constant 23 : i32
      %lt3A_131 = arith.cmpi slt, %add3A_130, %lt3A : i32
      %convert_element_type3A_132 = arith.extui %lt3A_131 : i1 to i32
      %cond3A_133 = arith.constant 0 : i32
      %cond3A_134 = arith.cmpi ne, %convert_element_type3A_132, %cond3A_133 : i32
      scf.if %cond3A_134 {
        %add3A_306 = arith.constant 1 : i32
        %add3A_307 = arith.addi %scan3A_111, %add3A_306 : i32
        %mul3A_308 = arith.constant 4 : i32
        %mul3A_309 = arith.muli %add3A_307, %mul3A_308 : i32
        %add3A_310 = arith.addi %mul3A_18, %mul3A_309 : i32
        %dma_start3A_311 = arith.constant 0 : i32
        %dma_start3A_312 = arith.constant 0 : i32
        %dma_start3A_313 = tpu.memref_slice %arg7[%sub3A_114, %dma_start3A_311, %dma_start3A_312] : memref<2x4x112xi32, #tpu.memory_space<vmem>> -> memref<1x4x112xi32, #tpu.memory_space<vmem>>
        %dma_start3A_314 = tpu.memref_squeeze %dma_start3A_313 : memref<1x4x112xi32, #tpu.memory_space<vmem>> -> memref<4x112xi32, #tpu.memory_space<vmem>>
        %dma_start3A_315 = arith.constant 0 : i32
        %dma_start3A_316 = tpu.memref_slice %arg2[%add3A_310, %dma_start3A_315] : memref<2944x112xi32, #tpu.memory_space<hbm>> -> memref<4x112xi32, #tpu.memory_space<hbm>>
        %dma_start3A_317 = arith.constant 0 : i32
        %dma_start3A_318 = arith.constant 0 : i32
        %dma_start3A_319 = tpu.memref_slice %arg7[%sub3A_114, %dma_start3A_317, %dma_start3A_318] : memref<2x4x112xi32, #tpu.memory_space<vmem>> -> memref<1x4x112xi32, #tpu.memory_space<vmem>>
        %dma_start3A_320 = tpu.memref_squeeze %dma_start3A_319 : memref<1x4x112xi32, #tpu.memory_space<vmem>> -> memref<4x112xi32, #tpu.memory_space<vmem>>
        %dma_start3A_321 = arith.constant 0 : i32
        %dma_start3A_322 = tpu.memref_slice %arg2[%add3A_310, %dma_start3A_321] : memref<2944x112xi32, #tpu.memory_space<hbm>> -> memref<4x112xi32, #tpu.memory_space<hbm>>
        tpu.enqueue_dma source(%dma_start3A_322 : memref<4x112xi32, #tpu.memory_space<hbm>>) target(%dma_start3A_320 : memref<4x112xi32, #tpu.memory_space<vmem>>) target_semaphore(%arg13 : memref<!tpu.dma_semaphore, #tpu.memory_space<semaphore_mem>>)
        %mul3A_323 = arith.constant 4 : i32
        %mul3A_324 = arith.muli %add3A_307, %mul3A_323 : i32
        %add3A_325 = arith.addi %mul3A_18, %mul3A_324 : i32
        %dma_start3A_326 = arith.constant 0 : i32
        %dma_start3A_327 = arith.constant 0 : i32
        %dma_start3A_328 = tpu.memref_slice %arg8[%sub3A_114, %dma_start3A_326, %dma_start3A_327] : memref<2x4x112xi32, #tpu.memory_space<vmem>> -> memref<1x4x112xi32, #tpu.memory_space<vmem>>
        %dma_start3A_329 = tpu.memref_squeeze %dma_start3A_328 : memref<1x4x112xi32, #tpu.memory_space<vmem>> -> memref<4x112xi32, #tpu.memory_space<vmem>>
        %dma_start3A_330 = arith.constant 0 : i32
        %dma_start3A_331 = tpu.memref_slice %arg3[%add3A_325, %dma_start3A_330] : memref<2944x112xi32, #tpu.memory_space<hbm>> -> memref<4x112xi32, #tpu.memory_space<hbm>>
        %dma_start3A_332 = arith.constant 0 : i32
        %dma_start3A_333 = arith.constant 0 : i32
        %dma_start3A_334 = tpu.memref_slice %arg8[%sub3A_114, %dma_start3A_332, %dma_start3A_333] : memref<2x4x112xi32, #tpu.memory_space<vmem>> -> memref<1x4x112xi32, #tpu.memory_space<vmem>>
        %dma_start3A_335 = tpu.memref_squeeze %dma_start3A_334 : memref<1x4x112xi32, #tpu.memory_space<vmem>> -> memref<4x112xi32, #tpu.memory_space<vmem>>
        %dma_start3A_336 = arith.constant 0 : i32
        %dma_start3A_337 = tpu.memref_slice %arg3[%add3A_325, %dma_start3A_336] : memref<2944x112xi32, #tpu.memory_space<hbm>> -> memref<4x112xi32, #tpu.memory_space<hbm>>
        tpu.enqueue_dma source(%dma_start3A_337 : memref<4x112xi32, #tpu.memory_space<hbm>>) target(%dma_start3A_335 : memref<4x112xi32, #tpu.memory_space<vmem>>) target_semaphore(%arg13 : memref<!tpu.dma_semaphore, #tpu.memory_space<semaphore_mem>>)
      } else {
      }
      %dma_start3A_135 = arith.constant 1 : i32
      %dma_start3A_136 = arith.constant 1 : i32
      %dma_start3A_137 = arith.constant 0 : i32
      %dma_start3A_138 = arith.constant 0 : i32
      %dma_start3A_139 = tpu.memref_slice %arg9[%dma_start3A_136, %dma_start3A_137, %dma_start3A_138] : memref<2x112x144xf32, #tpu.memory_space<vmem>> -> memref<1x112x144xf32, #tpu.memory_space<vmem>>
      %dma_start3A_140 = tpu.memref_squeeze %dma_start3A_139 : memref<1x112x144xf32, #tpu.memory_space<vmem>> -> memref<112x144xf32, #tpu.memory_space<vmem>>
      %dma_start3A_141 = arith.constant 0 : i32
      %dma_start3A_142 = tpu.memref_slice %arg7[%rem3A_113, %dma_start3A_135, %dma_start3A_141] : memref<2x4x112xi32, #tpu.memory_space<vmem>> -> memref<1x1x112xi32, #tpu.memory_space<vmem>>
      %dma_start3A_143 = tpu.memref_squeeze %dma_start3A_142 : memref<1x1x112xi32, #tpu.memory_space<vmem>> -> memref<112xi32, #tpu.memory_space<vmem>>
      %dma_start3A_144 = arith.constant 0 : i32
      %dma_start3A_145 = arith.constant 0 : i32
      %dma_start3A_146 = tpu.memref_slice %arg4[%dma_start3A_144, %dma_start3A_145] : memref<10000x144xf32, #tpu.memory_space<hbm>> -> memref<10000x144xf32, #tpu.memory_space<hbm>>
      tpu.enqueue_indirect_dma source(%dma_start3A_146 : memref<10000x144xf32, #tpu.memory_space<hbm>>) target(%dma_start3A_140 : memref<112x144xf32, #tpu.memory_space<vmem>>) offsets(%dma_start3A_143 : memref<112xi32, #tpu.memory_space<vmem>>) semaphore(%arg11 : memref<!tpu.dma_semaphore, #tpu.memory_space<semaphore_mem>>)
      %dma_start3A_147 = arith.constant 0 : i32
      %dma_start3A_148 = arith.constant 0 : i32
      %dma_start3A_149 = arith.constant 0 : i32
      %dma_start3A_150 = arith.constant 0 : i32
      %dma_start3A_151 = tpu.memref_slice %arg9[%dma_start3A_147, %dma_start3A_149, %dma_start3A_150] : memref<2x112x144xf32, #tpu.memory_space<vmem>> -> memref<1x112x144xf32, #tpu.memory_space<vmem>>
      %dma_start3A_152 = tpu.memref_squeeze %dma_start3A_151 : memref<1x112x144xf32, #tpu.memory_space<vmem>> -> memref<112x144xf32, #tpu.memory_space<vmem>>
      %dma_start3A_153 = arith.constant 0 : i32
      %dma_start3A_154 = tpu.memref_slice %arg8[%rem3A_113, %dma_start3A_148, %dma_start3A_153] : memref<2x4x112xi32, #tpu.memory_space<vmem>> -> memref<1x1x112xi32, #tpu.memory_space<vmem>>
      %dma_start3A_155 = tpu.memref_squeeze %dma_start3A_154 : memref<1x1x112xi32, #tpu.memory_space<vmem>> -> memref<112xi32, #tpu.memory_space<vmem>>
      %dma_start3A_156 = arith.constant 0 : i32
      %dma_start3A_157 = arith.constant 0 : i32
      %dma_start3A_158 = tpu.memref_slice %arg6[%dma_start3A_156, %dma_start3A_157] : memref<10240x144xf32, #tpu.memory_space<vmem_shared>> -> memref<10240x144xf32, #tpu.memory_space<vmem_shared>>
      tpu.enqueue_indirect_dma source(%dma_start3A_152 : memref<112x144xf32, #tpu.memory_space<vmem>>) target(%dma_start3A_158 : memref<10240x144xf32, #tpu.memory_space<vmem_shared>>) offsets(%dma_start3A_155 : memref<112xi32, #tpu.memory_space<vmem>>) semaphore(%arg12 : memref<!tpu.dma_semaphore, #tpu.memory_space<semaphore_mem>>) {add = true}
      %dma_wait3A_159 = arith.constant 1 : i32
      %dma_wait3A_160 = arith.constant 1 : i32
      %dma_wait3A_161 = arith.constant 0 : i32
      %dma_wait3A_162 = arith.constant 0 : i32
      %dma_wait3A_163 = tpu.memref_slice %arg9[%dma_wait3A_160, %dma_wait3A_161, %dma_wait3A_162] : memref<2x112x144xf32, #tpu.memory_space<vmem>> -> memref<1x112x144xf32, #tpu.memory_space<vmem>>
      %dma_wait3A_164 = tpu.memref_squeeze %dma_wait3A_163 : memref<1x112x144xf32, #tpu.memory_space<vmem>> -> memref<112x144xf32, #tpu.memory_space<vmem>>
      %dma_wait3A_165 = arith.constant 0 : i32
      %dma_wait3A_166 = tpu.memref_slice %arg7[%rem3A_113, %dma_wait3A_159, %dma_wait3A_165] : memref<2x4x112xi32, #tpu.memory_space<vmem>> -> memref<1x1x112xi32, #tpu.memory_space<vmem>>
      %dma_wait3A_167 = tpu.memref_squeeze %dma_wait3A_166 : memref<1x1x112xi32, #tpu.memory_space<vmem>> -> memref<112xi32, #tpu.memory_space<vmem>>
      %dma_wait3A_168 = arith.constant 0 : i32
      %dma_wait3A_169 = arith.constant 0 : i32
      %dma_wait3A_170 = tpu.memref_slice %arg4[%dma_wait3A_168, %dma_wait3A_169] : memref<10000x144xf32, #tpu.memory_space<hbm>> -> memref<10000x144xf32, #tpu.memory_space<hbm>>
      tpu.wait_indirect_dma semaphore(%arg11 : memref<!tpu.dma_semaphore, #tpu.memory_space<semaphore_mem>>) src(%dma_wait3A_170 : memref<10000x144xf32, #tpu.memory_space<hbm>>) dst(%dma_wait3A_164 : memref<112x144xf32, #tpu.memory_space<vmem>>)
      %dma_wait3A_171 = arith.constant 0 : i32
      %dma_wait3A_172 = arith.constant 0 : i32
      %dma_wait3A_173 = arith.constant 0 : i32
      %dma_wait3A_174 = arith.constant 0 : i32
      %dma_wait3A_175 = tpu.memref_slice %arg9[%dma_wait3A_171, %dma_wait3A_173, %dma_wait3A_174] : memref<2x112x144xf32, #tpu.memory_space<vmem>> -> memref<1x112x144xf32, #tpu.memory_space<vmem>>
      %dma_wait3A_176 = tpu.memref_squeeze %dma_wait3A_175 : memref<1x112x144xf32, #tpu.memory_space<vmem>> -> memref<112x144xf32, #tpu.memory_space<vmem>>
      %dma_wait3A_177 = arith.constant 0 : i32
      %dma_wait3A_178 = tpu.memref_slice %arg8[%rem3A_113, %dma_wait3A_172, %dma_wait3A_177] : memref<2x4x112xi32, #tpu.memory_space<vmem>> -> memref<1x1x112xi32, #tpu.memory_space<vmem>>
      %dma_wait3A_179 = tpu.memref_squeeze %dma_wait3A_178 : memref<1x1x112xi32, #tpu.memory_space<vmem>> -> memref<112xi32, #tpu.memory_space<vmem>>
      %dma_wait3A_180 = arith.constant 0 : i32
      %dma_wait3A_181 = arith.constant 0 : i32
      %dma_wait3A_182 = tpu.memref_slice %arg6[%dma_wait3A_180, %dma_wait3A_181] : memref<10240x144xf32, #tpu.memory_space<vmem_shared>> -> memref<10240x144xf32, #tpu.memory_space<vmem_shared>>
      tpu.wait_indirect_dma semaphore(%arg12 : memref<!tpu.dma_semaphore, #tpu.memory_space<semaphore_mem>>) src(%dma_wait3A_176 : memref<112x144xf32, #tpu.memory_space<vmem>>) dst(%dma_wait3A_182 : memref<10240x144xf32, #tpu.memory_space<vmem_shared>>)
      %dma_start3A_183 = arith.constant 2 : i32
      %dma_start3A_184 = arith.constant 0 : i32
      %dma_start3A_185 = arith.constant 0 : i32
      %dma_start3A_186 = arith.constant 0 : i32
      %dma_start3A_187 = tpu.memref_slice %arg9[%dma_start3A_184, %dma_start3A_185, %dma_start3A_186] : memref<2x112x144xf32, #tpu.memory_space<vmem>> -> memref<1x112x144xf32, #tpu.memory_space<vmem>>
      %dma_start3A_188 = tpu.memref_squeeze %dma_start3A_187 : memref<1x112x144xf32, #tpu.memory_space<vmem>> -> memref<112x144xf32, #tpu.memory_space<vmem>>
      %dma_start3A_189 = arith.constant 0 : i32
      %dma_start3A_190 = tpu.memref_slice %arg7[%rem3A_113, %dma_start3A_183, %dma_start3A_189] : memref<2x4x112xi32, #tpu.memory_space<vmem>> -> memref<1x1x112xi32, #tpu.memory_space<vmem>>
      %dma_start3A_191 = tpu.memref_squeeze %dma_start3A_190 : memref<1x1x112xi32, #tpu.memory_space<vmem>> -> memref<112xi32, #tpu.memory_space<vmem>>
      %dma_start3A_192 = arith.constant 0 : i32
      %dma_start3A_193 = arith.constant 0 : i32
      %dma_start3A_194 = tpu.memref_slice %arg4[%dma_start3A_192, %dma_start3A_193] : memref<10000x144xf32, #tpu.memory_space<hbm>> -> memref<10000x144xf32, #tpu.memory_space<hbm>>
      tpu.enqueue_indirect_dma source(%dma_start3A_194 : memref<10000x144xf32, #tpu.memory_space<hbm>>) target(%dma_start3A_188 : memref<112x144xf32, #tpu.memory_space<vmem>>) offsets(%dma_start3A_191 : memref<112xi32, #tpu.memory_space<vmem>>) semaphore(%arg11 : memref<!tpu.dma_semaphore, #tpu.memory_space<semaphore_mem>>)
      %dma_start3A_195 = arith.constant 1 : i32
      %dma_start3A_196 = arith.constant 1 : i32
      %dma_start3A_197 = arith.constant 0 : i32
      %dma_start3A_198 = arith.constant 0 : i32
      %dma_start3A_199 = tpu.memref_slice %arg9[%dma_start3A_195, %dma_start3A_197, %dma_start3A_198] : memref<2x112x144xf32, #tpu.memory_space<vmem>> -> memref<1x112x144xf32, #tpu.memory_space<vmem>>
      %dma_start3A_200 = tpu.memref_squeeze %dma_start3A_199 : memref<1x112x144xf32, #tpu.memory_space<vmem>> -> memref<112x144xf32, #tpu.memory_space<vmem>>
      %dma_start3A_201 = arith.constant 0 : i32
      %dma_start3A_202 = tpu.memref_slice %arg8[%rem3A_113, %dma_start3A_196, %dma_start3A_201] : memref<2x4x112xi32, #tpu.memory_space<vmem>> -> memref<1x1x112xi32, #tpu.memory_space<vmem>>
      %dma_start3A_203 = tpu.memref_squeeze %dma_start3A_202 : memref<1x1x112xi32, #tpu.memory_space<vmem>> -> memref<112xi32, #tpu.memory_space<vmem>>
      %dma_start3A_204 = arith.constant 0 : i32
      %dma_start3A_205 = arith.constant 0 : i32
      %dma_start3A_206 = tpu.memref_slice %arg6[%dma_start3A_204, %dma_start3A_205] : memref<10240x144xf32, #tpu.memory_space<vmem_shared>> -> memref<10240x144xf32, #tpu.memory_space<vmem_shared>>
      tpu.enqueue_indirect_dma source(%dma_start3A_200 : memref<112x144xf32, #tpu.memory_space<vmem>>) target(%dma_start3A_206 : memref<10240x144xf32, #tpu.memory_space<vmem_shared>>) offsets(%dma_start3A_203 : memref<112xi32, #tpu.memory_space<vmem>>) semaphore(%arg12 : memref<!tpu.dma_semaphore, #tpu.memory_space<semaphore_mem>>) {add = true}
      %dma_wait3A_207 = arith.constant 2 : i32
      %dma_wait3A_208 = arith.constant 0 : i32
      %dma_wait3A_209 = arith.constant 0 : i32
      %dma_wait3A_210 = arith.constant 0 : i32
      %dma_wait3A_211 = tpu.memref_slice %arg9[%dma_wait3A_208, %dma_wait3A_209, %dma_wait3A_210] : memref<2x112x144xf32, #tpu.memory_space<vmem>> -> memref<1x112x144xf32, #tpu.memory_space<vmem>>
      %dma_wait3A_212 = tpu.memref_squeeze %dma_wait3A_211 : memref<1x112x144xf32, #tpu.memory_space<vmem>> -> memref<112x144xf32, #tpu.memory_space<vmem>>
      %dma_wait3A_213 = arith.constant 0 : i32
      %dma_wait3A_214 = tpu.memref_slice %arg7[%rem3A_113, %dma_wait3A_207, %dma_wait3A_213] : memref<2x4x112xi32, #tpu.memory_space<vmem>> -> memref<1x1x112xi32, #tpu.memory_space<vmem>>
      %dma_wait3A_215 = tpu.memref_squeeze %dma_wait3A_214 : memref<1x1x112xi32, #tpu.memory_space<vmem>> -> memref<112xi32, #tpu.memory_space<vmem>>
      %dma_wait3A_216 = arith.constant 0 : i32
      %dma_wait3A_217 = arith.constant 0 : i32
      %dma_wait3A_218 = tpu.memref_slice %arg4[%dma_wait3A_216, %dma_wait3A_217] : memref<10000x144xf32, #tpu.memory_space<hbm>> -> memref<10000x144xf32, #tpu.memory_space<hbm>>
      tpu.wait_indirect_dma semaphore(%arg11 : memref<!tpu.dma_semaphore, #tpu.memory_space<semaphore_mem>>) src(%dma_wait3A_218 : memref<10000x144xf32, #tpu.memory_space<hbm>>) dst(%dma_wait3A_212 : memref<112x144xf32, #tpu.memory_space<vmem>>)
      %dma_wait3A_219 = arith.constant 1 : i32
      %dma_wait3A_220 = arith.constant 1 : i32
      %dma_wait3A_221 = arith.constant 0 : i32
      %dma_wait3A_222 = arith.constant 0 : i32
      %dma_wait3A_223 = tpu.memref_slice %arg9[%dma_wait3A_219, %dma_wait3A_221, %dma_wait3A_222] : memref<2x112x144xf32, #tpu.memory_space<vmem>> -> memref<1x112x144xf32, #tpu.memory_space<vmem>>
      %dma_wait3A_224 = tpu.memref_squeeze %dma_wait3A_223 : memref<1x112x144xf32, #tpu.memory_space<vmem>> -> memref<112x144xf32, #tpu.memory_space<vmem>>
      %dma_wait3A_225 = arith.constant 0 : i32
      %dma_wait3A_226 = tpu.memref_slice %arg8[%rem3A_113, %dma_wait3A_220, %dma_wait3A_225] : memref<2x4x112xi32, #tpu.memory_space<vmem>> -> memref<1x1x112xi32, #tpu.memory_space<vmem>>
      %dma_wait3A_227 = tpu.memref_squeeze %dma_wait3A_226 : memref<1x1x112xi32, #tpu.memory_space<vmem>> -> memref<112xi32, #tpu.memory_space<vmem>>
      %dma_wait3A_228 = arith.constant 0 : i32
      %dma_wait3A_229 = arith.constant 0 : i32
      %dma_wait3A_230 = tpu.memref_slice %arg6[%dma_wait3A_228, %dma_wait3A_229] : memref<10240x144xf32, #tpu.memory_space<vmem_shared>> -> memref<10240x144xf32, #tpu.memory_space<vmem_shared>>
      tpu.wait_indirect_dma semaphore(%arg12 : memref<!tpu.dma_semaphore, #tpu.memory_space<semaphore_mem>>) src(%dma_wait3A_224 : memref<112x144xf32, #tpu.memory_space<vmem>>) dst(%dma_wait3A_230 : memref<10240x144xf32, #tpu.memory_space<vmem_shared>>)
      %add3A_231 = arith.constant 1 : i32
      %add3A_232 = arith.addi %scan3A_111, %add3A_231 : i32
      %lt3A_233 = arith.constant 23 : i32
      %lt3A_234 = arith.cmpi slt, %add3A_232, %lt3A_233 : i32
      %convert_element_type3A_235 = arith.extui %lt3A_234 : i1 to i32
      %cond3A_236 = arith.constant 0 : i32
      %cond3A_237 = arith.cmpi ne, %convert_element_type3A_235, %cond3A_236 : i32
      scf.if %cond3A_237 {
        %add3A_306 = arith.constant 1 : i32
        %add3A_307 = arith.addi %scan3A_111, %add3A_306 : i32
        %mul3A_308 = arith.constant 4 : i32
        %mul3A_309 = arith.muli %add3A_307, %mul3A_308 : i32
        %add3A_310 = arith.addi %mul3A_18, %mul3A_309 : i32
        %dma_wait3A_311 = arith.constant 0 : i32
        %dma_wait3A_312 = arith.constant 0 : i32
        %dma_wait3A_313 = tpu.memref_slice %arg7[%sub3A_114, %dma_wait3A_311, %dma_wait3A_312] : memref<2x4x112xi32, #tpu.memory_space<vmem>> -> memref<1x4x112xi32, #tpu.memory_space<vmem>>
        %dma_wait3A_314 = tpu.memref_squeeze %dma_wait3A_313 : memref<1x4x112xi32, #tpu.memory_space<vmem>> -> memref<4x112xi32, #tpu.memory_space<vmem>>
        %dma_wait3A_315 = arith.constant 0 : i32
        %dma_wait3A_316 = tpu.memref_slice %arg2[%add3A_310, %dma_wait3A_315] : memref<2944x112xi32, #tpu.memory_space<hbm>> -> memref<4x112xi32, #tpu.memory_space<hbm>>
        %dma_wait3A_317 = arith.constant 0 : i32
        %dma_wait3A_318 = arith.constant 0 : i32
        %dma_wait3A_319 = tpu.memref_slice %arg7[%sub3A_114, %dma_wait3A_317, %dma_wait3A_318] : memref<2x4x112xi32, #tpu.memory_space<vmem>> -> memref<1x4x112xi32, #tpu.memory_space<vmem>>
        %dma_wait3A_320 = tpu.memref_squeeze %dma_wait3A_319 : memref<1x4x112xi32, #tpu.memory_space<vmem>> -> memref<4x112xi32, #tpu.memory_space<vmem>>
        %dma_wait3A_321 = arith.constant 0 : i32
        %dma_wait3A_322 = tpu.memref_slice %arg2[%add3A_310, %dma_wait3A_321] : memref<2944x112xi32, #tpu.memory_space<hbm>> -> memref<4x112xi32, #tpu.memory_space<hbm>>
        tpu.wait_dma2 semaphore(%arg13 : memref<!tpu.dma_semaphore, #tpu.memory_space<semaphore_mem>>) src(%dma_wait3A_322 : memref<4x112xi32, #tpu.memory_space<hbm>>) dst(%dma_wait3A_320 : memref<4x112xi32, #tpu.memory_space<vmem>>)
        %mul3A_323 = arith.constant 4 : i32
        %mul3A_324 = arith.muli %add3A_307, %mul3A_323 : i32
        %add3A_325 = arith.addi %mul3A_18, %mul3A_324 : i32
        %dma_wait3A_326 = arith.constant 0 : i32
        %dma_wait3A_327 = arith.constant 0 : i32
        %dma_wait3A_328 = tpu.memref_slice %arg8[%sub3A_114, %dma_wait3A_326, %dma_wait3A_327] : memref<2x4x112xi32, #tpu.memory_space<vmem>> -> memref<1x4x112xi32, #tpu.memory_space<vmem>>
        %dma_wait3A_329 = tpu.memref_squeeze %dma_wait3A_328 : memref<1x4x112xi32, #tpu.memory_space<vmem>> -> memref<4x112xi32, #tpu.memory_space<vmem>>
        %dma_wait3A_330 = arith.constant 0 : i32
        %dma_wait3A_331 = tpu.memref_slice %arg3[%add3A_325, %dma_wait3A_330] : memref<2944x112xi32, #tpu.memory_space<hbm>> -> memref<4x112xi32, #tpu.memory_space<hbm>>
        %dma_wait3A_332 = arith.constant 0 : i32
        %dma_wait3A_333 = arith.constant 0 : i32
        %dma_wait3A_334 = tpu.memref_slice %arg8[%sub3A_114, %dma_wait3A_332, %dma_wait3A_333] : memref<2x4x112xi32, #tpu.memory_space<vmem>> -> memref<1x4x112xi32, #tpu.memory_space<vmem>>
        %dma_wait3A_335 = tpu.memref_squeeze %dma_wait3A_334 : memref<1x4x112xi32, #tpu.memory_space<vmem>> -> memref<4x112xi32, #tpu.memory_space<vmem>>
        %dma_wait3A_336 = arith.constant 0 : i32
        %dma_wait3A_337 = tpu.memref_slice %arg3[%add3A_325, %dma_wait3A_336] : memref<2944x112xi32, #tpu.memory_space<hbm>> -> memref<4x112xi32, #tpu.memory_space<hbm>>
        tpu.wait_dma2 semaphore(%arg13 : memref<!tpu.dma_semaphore, #tpu.memory_space<semaphore_mem>>) src(%dma_wait3A_337 : memref<4x112xi32, #tpu.memory_space<hbm>>) dst(%dma_wait3A_335 : memref<4x112xi32, #tpu.memory_space<vmem>>)
      } else {
      }
      %dma_start3A_238 = arith.constant 3 : i32
      %dma_start3A_239 = arith.constant 1 : i32
      %dma_start3A_240 = arith.constant 0 : i32
      %dma_start3A_241 = arith.constant 0 : i32
      %dma_start3A_242 = tpu.memref_slice %arg9[%dma_start3A_239, %dma_start3A_240, %dma_start3A_241] : memref<2x112x144xf32, #tpu.memory_space<vmem>> -> memref<1x112x144xf32, #tpu.memory_space<vmem>>
      %dma_start3A_243 = tpu.memref_squeeze %dma_start3A_242 : memref<1x112x144xf32, #tpu.memory_space<vmem>> -> memref<112x144xf32, #tpu.memory_space<vmem>>
      %dma_start3A_244 = arith.constant 0 : i32
      %dma_start3A_245 = tpu.memref_slice %arg7[%rem3A_113, %dma_start3A_238, %dma_start3A_244] : memref<2x4x112xi32, #tpu.memory_space<vmem>> -> memref<1x1x112xi32, #tpu.memory_space<vmem>>
      %dma_start3A_246 = tpu.memref_squeeze %dma_start3A_245 : memref<1x1x112xi32, #tpu.memory_space<vmem>> -> memref<112xi32, #tpu.memory_space<vmem>>
      %dma_start3A_247 = arith.constant 0 : i32
      %dma_start3A_248 = arith.constant 0 : i32
      %dma_start3A_249 = tpu.memref_slice %arg4[%dma_start3A_247, %dma_start3A_248] : memref<10000x144xf32, #tpu.memory_space<hbm>> -> memref<10000x144xf32, #tpu.memory_space<hbm>>
      tpu.enqueue_indirect_dma source(%dma_start3A_249 : memref<10000x144xf32, #tpu.memory_space<hbm>>) target(%dma_start3A_243 : memref<112x144xf32, #tpu.memory_space<vmem>>) offsets(%dma_start3A_246 : memref<112xi32, #tpu.memory_space<vmem>>) semaphore(%arg11 : memref<!tpu.dma_semaphore, #tpu.memory_space<semaphore_mem>>)
      %dma_start3A_250 = arith.constant 0 : i32
      %dma_start3A_251 = arith.constant 2 : i32
      %dma_start3A_252 = arith.constant 0 : i32
      %dma_start3A_253 = arith.constant 0 : i32
      %dma_start3A_254 = tpu.memref_slice %arg9[%dma_start3A_250, %dma_start3A_252, %dma_start3A_253] : memref<2x112x144xf32, #tpu.memory_space<vmem>> -> memref<1x112x144xf32, #tpu.memory_space<vmem>>
      %dma_start3A_255 = tpu.memref_squeeze %dma_start3A_254 : memref<1x112x144xf32, #tpu.memory_space<vmem>> -> memref<112x144xf32, #tpu.memory_space<vmem>>
      %dma_start3A_256 = arith.constant 0 : i32
      %dma_start3A_257 = tpu.memref_slice %arg8[%rem3A_113, %dma_start3A_251, %dma_start3A_256] : memref<2x4x112xi32, #tpu.memory_space<vmem>> -> memref<1x1x112xi32, #tpu.memory_space<vmem>>
      %dma_start3A_258 = tpu.memref_squeeze %dma_start3A_257 : memref<1x1x112xi32, #tpu.memory_space<vmem>> -> memref<112xi32, #tpu.memory_space<vmem>>
      %dma_start3A_259 = arith.constant 0 : i32
      %dma_start3A_260 = arith.constant 0 : i32
      %dma_start3A_261 = tpu.memref_slice %arg6[%dma_start3A_259, %dma_start3A_260] : memref<10240x144xf32, #tpu.memory_space<vmem_shared>> -> memref<10240x144xf32, #tpu.memory_space<vmem_shared>>
      tpu.enqueue_indirect_dma source(%dma_start3A_255 : memref<112x144xf32, #tpu.memory_space<vmem>>) target(%dma_start3A_261 : memref<10240x144xf32, #tpu.memory_space<vmem_shared>>) offsets(%dma_start3A_258 : memref<112xi32, #tpu.memory_space<vmem>>) semaphore(%arg12 : memref<!tpu.dma_semaphore, #tpu.memory_space<semaphore_mem>>) {add = true}
      %dma_wait3A_262 = arith.constant 3 : i32
      %dma_wait3A_263 = arith.constant 1 : i32
      %dma_wait3A_264 = arith.constant 0 : i32
      %dma_wait3A_265 = arith.constant 0 : i32
      %dma_wait3A_266 = tpu.memref_slice %arg9[%dma_wait3A_263, %dma_wait3A_264, %dma_wait3A_265] : memref<2x112x144xf32, #tpu.memory_space<vmem>> -> memref<1x112x144xf32, #tpu.memory_space<vmem>>
      %dma_wait3A_267 = tpu.memref_squeeze %dma_wait3A_266 : memref<1x112x144xf32, #tpu.memory_space<vmem>> -> memref<112x144xf32, #tpu.memory_space<vmem>>
      %dma_wait3A_268 = arith.constant 0 : i32
      %dma_wait3A_269 = tpu.memref_slice %arg7[%rem3A_113, %dma_wait3A_262, %dma_wait3A_268] : memref<2x4x112xi32, #tpu.memory_space<vmem>> -> memref<1x1x112xi32, #tpu.memory_space<vmem>>
      %dma_wait3A_270 = tpu.memref_squeeze %dma_wait3A_269 : memref<1x1x112xi32, #tpu.memory_space<vmem>> -> memref<112xi32, #tpu.memory_space<vmem>>
      %dma_wait3A_271 = arith.constant 0 : i32
      %dma_wait3A_272 = arith.constant 0 : i32
      %dma_wait3A_273 = tpu.memref_slice %arg4[%dma_wait3A_271, %dma_wait3A_272] : memref<10000x144xf32, #tpu.memory_space<hbm>> -> memref<10000x144xf32, #tpu.memory_space<hbm>>
      tpu.wait_indirect_dma semaphore(%arg11 : memref<!tpu.dma_semaphore, #tpu.memory_space<semaphore_mem>>) src(%dma_wait3A_273 : memref<10000x144xf32, #tpu.memory_space<hbm>>) dst(%dma_wait3A_267 : memref<112x144xf32, #tpu.memory_space<vmem>>)
      %dma_wait3A_274 = arith.constant 0 : i32
      %dma_wait3A_275 = arith.constant 2 : i32
      %dma_wait3A_276 = arith.constant 0 : i32
      %dma_wait3A_277 = arith.constant 0 : i32
      %dma_wait3A_278 = tpu.memref_slice %arg9[%dma_wait3A_274, %dma_wait3A_276, %dma_wait3A_277] : memref<2x112x144xf32, #tpu.memory_space<vmem>> -> memref<1x112x144xf32, #tpu.memory_space<vmem>>
      %dma_wait3A_279 = tpu.memref_squeeze %dma_wait3A_278 : memref<1x112x144xf32, #tpu.memory_space<vmem>> -> memref<112x144xf32, #tpu.memory_space<vmem>>
      %dma_wait3A_280 = arith.constant 0 : i32
      %dma_wait3A_281 = tpu.memref_slice %arg8[%rem3A_113, %dma_wait3A_275, %dma_wait3A_280] : memref<2x4x112xi32, #tpu.memory_space<vmem>> -> memref<1x1x112xi32, #tpu.memory_space<vmem>>
      %dma_wait3A_282 = tpu.memref_squeeze %dma_wait3A_281 : memref<1x1x112xi32, #tpu.memory_space<vmem>> -> memref<112xi32, #tpu.memory_space<vmem>>
      %dma_wait3A_283 = arith.constant 0 : i32
      %dma_wait3A_284 = arith.constant 0 : i32
      %dma_wait3A_285 = tpu.memref_slice %arg6[%dma_wait3A_283, %dma_wait3A_284] : memref<10240x144xf32, #tpu.memory_space<vmem_shared>> -> memref<10240x144xf32, #tpu.memory_space<vmem_shared>>
      tpu.wait_indirect_dma semaphore(%arg12 : memref<!tpu.dma_semaphore, #tpu.memory_space<semaphore_mem>>) src(%dma_wait3A_279 : memref<112x144xf32, #tpu.memory_space<vmem>>) dst(%dma_wait3A_285 : memref<10240x144xf32, #tpu.memory_space<vmem_shared>>)
      %add3A_286 = arith.constant 1 : i32
      %add3A_287 = arith.addi %scan3A_111, %add3A_286 : i32
      %lt3A_288 = arith.constant 23 : i32
      %lt3A_289 = arith.cmpi slt, %add3A_287, %lt3A_288 : i32
      %convert_element_type3A_290 = arith.extui %lt3A_289 : i1 to i32
      %cond3A_291 = arith.constant 0 : i32
      %cond3A_292 = arith.cmpi ne, %convert_element_type3A_290, %cond3A_291 : i32
      scf.if %cond3A_292 {
        %dma_start3A_306 = arith.constant 0 : i32
        %dma_start3A_307 = arith.constant 0 : i32
        %dma_start3A_308 = arith.constant 0 : i32
        %dma_start3A_309 = arith.constant 0 : i32
        %dma_start3A_310 = tpu.memref_slice %arg9[%dma_start3A_307, %dma_start3A_308, %dma_start3A_309] : memref<2x112x144xf32, #tpu.memory_space<vmem>> -> memref<1x112x144xf32, #tpu.memory_space<vmem>>
        %dma_start3A_311 = tpu.memref_squeeze %dma_start3A_310 : memref<1x112x144xf32, #tpu.memory_space<vmem>> -> memref<112x144xf32, #tpu.memory_space<vmem>>
        %dma_start3A_312 = arith.constant 0 : i32
        %dma_start3A_313 = tpu.memref_slice %arg7[%sub3A_114, %dma_start3A_306, %dma_start3A_312] : memref<2x4x112xi32, #tpu.memory_space<vmem>> -> memref<1x1x112xi32, #tpu.memory_space<vmem>>
        %dma_start3A_314 = tpu.memref_squeeze %dma_start3A_313 : memref<1x1x112xi32, #tpu.memory_space<vmem>> -> memref<112xi32, #tpu.memory_space<vmem>>
        %dma_start3A_315 = arith.constant 0 : i32
        %dma_start3A_316 = arith.constant 0 : i32
        %dma_start3A_317 = tpu.memref_slice %arg4[%dma_start3A_315, %dma_start3A_316] : memref<10000x144xf32, #tpu.memory_space<hbm>> -> memref<10000x144xf32, #tpu.memory_space<hbm>>
        tpu.enqueue_indirect_dma source(%dma_start3A_317 : memref<10000x144xf32, #tpu.memory_space<hbm>>) target(%dma_start3A_311 : memref<112x144xf32, #tpu.memory_space<vmem>>) offsets(%dma_start3A_314 : memref<112xi32, #tpu.memory_space<vmem>>) semaphore(%arg11 : memref<!tpu.dma_semaphore, #tpu.memory_space<semaphore_mem>>)
      } else {
      }
      %dma_start3A_293 = arith.constant 1 : i32
      %dma_start3A_294 = arith.constant 3 : i32
      %dma_start3A_295 = arith.constant 0 : i32
      %dma_start3A_296 = arith.constant 0 : i32
      %dma_start3A_297 = tpu.memref_slice %arg9[%dma_start3A_293, %dma_start3A_295, %dma_start3A_296] : memref<2x112x144xf32, #tpu.memory_space<vmem>> -> memref<1x112x144xf32, #tpu.memory_space<vmem>>
      %dma_start3A_298 = tpu.memref_squeeze %dma_start3A_297 : memref<1x112x144xf32, #tpu.memory_space<vmem>> -> memref<112x144xf32, #tpu.memory_space<vmem>>
      %dma_start3A_299 = arith.constant 0 : i32
      %dma_start3A_300 = tpu.memref_slice %arg8[%rem3A_113, %dma_start3A_294, %dma_start3A_299] : memref<2x4x112xi32, #tpu.memory_space<vmem>> -> memref<1x1x112xi32, #tpu.memory_space<vmem>>
      %dma_start3A_301 = tpu.memref_squeeze %dma_start3A_300 : memref<1x1x112xi32, #tpu.memory_space<vmem>> -> memref<112xi32, #tpu.memory_space<vmem>>
      %dma_start3A_302 = arith.constant 0 : i32
      %dma_start3A_303 = arith.constant 0 : i32
      %dma_start3A_304 = tpu.memref_slice %arg6[%dma_start3A_302, %dma_start3A_303] : memref<10240x144xf32, #tpu.memory_space<vmem_shared>> -> memref<10240x144xf32, #tpu.memory_space<vmem_shared>>
      tpu.enqueue_indirect_dma source(%dma_start3A_298 : memref<112x144xf32, #tpu.memory_space<vmem>>) target(%dma_start3A_304 : memref<10240x144xf32, #tpu.memory_space<vmem_shared>>) offsets(%dma_start3A_301 : memref<112xi32, #tpu.memory_space<vmem>>) semaphore(%arg12 : memref<!tpu.dma_semaphore, #tpu.memory_space<semaphore_mem>>) {add = true}
      %scan3A_305 = arith.constant 0 : i32
      scf.yield %scan3A_305 : i32
    }
    %scan3A_96 = arith.constant 23 : i32
    %dma_wait3A_97 = arith.constant 1 : i32
    %dma_wait3A_98 = arith.constant 0 : i32
    %dma_wait3A_99 = arith.constant 3 : i32
    %dma_wait3A_100 = arith.constant 0 : i32
    %dma_wait3A_101 = arith.constant 0 : i32
    %dma_wait3A_102 = tpu.memref_slice %arg9[%dma_wait3A_97, %dma_wait3A_100, %dma_wait3A_101] : memref<2x112x144xf32, #tpu.memory_space<vmem>> -> memref<1x112x144xf32, #tpu.memory_space<vmem>>
    %dma_wait3A_103 = tpu.memref_squeeze %dma_wait3A_102 : memref<1x112x144xf32, #tpu.memory_space<vmem>> -> memref<112x144xf32, #tpu.memory_space<vmem>>
    %dma_wait3A_104 = arith.constant 0 : i32
    %dma_wait3A_105 = tpu.memref_slice %arg8[%dma_wait3A_98, %dma_wait3A_99, %dma_wait3A_104] : memref<2x4x112xi32, #tpu.memory_space<vmem>> -> memref<1x1x112xi32, #tpu.memory_space<vmem>>
    %dma_wait3A_106 = tpu.memref_squeeze %dma_wait3A_105 : memref<1x1x112xi32, #tpu.memory_space<vmem>> -> memref<112xi32, #tpu.memory_space<vmem>>
    %dma_wait3A_107 = arith.constant 0 : i32
    %dma_wait3A_108 = arith.constant 0 : i32
    %dma_wait3A_109 = tpu.memref_slice %arg6[%dma_wait3A_107, %dma_wait3A_108] : memref<10240x144xf32, #tpu.memory_space<vmem_shared>> -> memref<10240x144xf32, #tpu.memory_space<vmem_shared>>
    tpu.wait_indirect_dma semaphore(%arg12 : memref<!tpu.dma_semaphore, #tpu.memory_space<semaphore_mem>>) src(%dma_wait3A_103 : memref<112x144xf32, #tpu.memory_space<vmem>>) dst(%dma_wait3A_109 : memref<10240x144xf32, #tpu.memory_space<vmem_shared>>)
    %barrier3A_110 = arith.constant 0 : index
    tpu.barrier barrier_id(%barrier3A_110)
    "tpu.region"() ({
      %run_scoped3A = tpu.sem_alloc : memref<!tpu.dma_semaphore, #tpu.memory_space<semaphore_mem>>
      %dma_start3A_111 = arith.constant 0 : i32
      %dma_start3A_112 = tpu.memref_slice %arg5[%arg0, %mul3A_9, %dma_start3A_111] : memref<2x10240x144xf32, #tpu.memory_space<hbm>> -> memref<1x640x144xf32, #tpu.memory_space<hbm>>
      %dma_start3A_113 = tpu.memref_squeeze %dma_start3A_112 : memref<1x640x144xf32, #tpu.memory_space<hbm>> -> memref<640x144xf32, #tpu.memory_space<hbm>>
      %dma_start3A_114 = arith.constant 0 : i32
      %dma_start3A_115 = tpu.memref_slice %arg6[%mul3A_9, %dma_start3A_114] : memref<10240x144xf32, #tpu.memory_space<vmem_shared>> -> memref<640x144xf32, #tpu.memory_space<vmem_shared>>
      tpu.enqueue_dma source(%dma_start3A_115 : memref<640x144xf32, #tpu.memory_space<vmem_shared>>) target(%dma_start3A_113 : memref<640x144xf32, #tpu.memory_space<hbm>>) target_semaphore(%run_scoped3A : memref<!tpu.dma_semaphore, #tpu.memory_space<semaphore_mem>>)
      %dma_wait3A_116 = arith.constant 0 : i32
      %dma_wait3A_117 = tpu.memref_slice %arg5[%arg0, %mul3A_9, %dma_wait3A_116] : memref<2x10240x144xf32, #tpu.memory_space<hbm>> -> memref<1x640x144xf32, #tpu.memory_space<hbm>>
      %dma_wait3A_118 = tpu.memref_squeeze %dma_wait3A_117 : memref<1x640x144xf32, #tpu.memory_space<hbm>> -> memref<640x144xf32, #tpu.memory_space<hbm>>
      %dma_wait3A_119 = arith.constant 0 : i32
      %dma_wait3A_120 = tpu.memref_slice %arg6[%mul3A_9, %dma_wait3A_119] : memref<10240x144xf32, #tpu.memory_space<vmem_shared>> -> memref<640x144xf32, #tpu.memory_space<vmem_shared>>
      tpu.wait_dma2 semaphore(%run_scoped3A : memref<!tpu.dma_semaphore, #tpu.memory_space<semaphore_mem>>) src(%dma_wait3A_120 : memref<640x144xf32, #tpu.memory_space<vmem_shared>>) dst(%dma_wait3A_118 : memref<640x144xf32, #tpu.memory_space<hbm>>)
      tpu.yield
    }) : () -> ()
    return
  }
}

module attributes {stable_mosaic.version = 14 : i64} {
  func.func @_sage_body(%arg0: i32, %arg1: memref<1000x128xf32, #tpu.memory_space<vmem>>, %arg2: memref<2x1000x144xf32, #tpu.memory_space<vmem>>, %arg3: memref<128x128xf32, #tpu.memory_space<vmem>>, %arg4: memref<128x128xf32, #tpu.memory_space<vmem>>, %arg5: memref<1x128xf32, #tpu.memory_space<vmem>>, %arg6: memref<1000x128xf32, #tpu.memory_space<vmem>>) attributes {dimension_semantics = [#tpu.dimension_semantics<arbitrary>], iteration_bounds = array<i64: 10>, scalar_prefetch = 0 : i64, scratch_operands = 0 : i64, tpu.core_type = #tpu.core_type<tc>, window_params = [{transform_indices = @transform_0, window_bounds = array<i64: 1000, 128>}, {transform_indices = @transform_1, window_bounds = array<i64: 2, 1000, 144>}, {pipeline_mode = #tpu.pipeline_mode<synchronous>, transform_indices = @transform_2, window_bounds = array<i64: 128, 128>}, {pipeline_mode = #tpu.pipeline_mode<synchronous>, transform_indices = @transform_3, window_bounds = array<i64: 128, 128>}, {pipeline_mode = #tpu.pipeline_mode<synchronous>, transform_indices = @transform_4, window_bounds = array<i64: 1, 128>}, {transform_indices = @transform_5, window_bounds = array<i64: 1000, 128>}]} {
    %get3A = arith.constant 0 : index
    %get3A_0 = arith.constant 0 : index
    %get3A_1 = arith.constant 128 : index
    %get3A_2 = vector.load %arg2[%get3A, %get3A_0, %get3A_1] : memref<2x1000x144xf32, #tpu.memory_space<vmem>>, vector<1x1000x1xf32>
    %get3A_3 = vector.shape_cast %get3A_2 : vector<1x1000x1xf32> to vector<1000x1xf32>
    %get3A_4 = arith.constant 1 : index
    %get3A_5 = arith.constant 0 : index
    %get3A_6 = arith.constant 128 : index
    %get3A_7 = vector.load %arg2[%get3A_4, %get3A_5, %get3A_6] : memref<2x1000x144xf32, #tpu.memory_space<vmem>>, vector<1x1000x1xf32>
    %get3A_8 = vector.shape_cast %get3A_7 : vector<1x1000x1xf32> to vector<1000x1xf32>
    %add3A = arith.addf %get3A_3, %get3A_8 : vector<1000x1xf32>
    %max3A = arith.constant 1.000000e+00 : f32
    %max3A_9 = vector.broadcast %max3A : f32 to vector<1000x1xf32>
    %max3A_10 = arith.maximumf %add3A, %max3A_9 : vector<1000x1xf32>
    %get3A_11 = arith.constant 0 : index
    %get3A_12 = arith.constant 0 : index
    %get3A_13 = arith.constant 0 : index
    %get3A_14 = vector.load %arg2[%get3A_11, %get3A_12, %get3A_13] : memref<2x1000x144xf32, #tpu.memory_space<vmem>>, vector<1x1000x128xf32>
    %get3A_15 = vector.shape_cast %get3A_14 : vector<1x1000x128xf32> to vector<1000x128xf32>
    %get3A_16 = arith.constant 1 : index
    %get3A_17 = arith.constant 0 : index
    %get3A_18 = arith.constant 0 : index
    %get3A_19 = vector.load %arg2[%get3A_16, %get3A_17, %get3A_18] : memref<2x1000x144xf32, #tpu.memory_space<vmem>>, vector<1x1000x128xf32>
    %get3A_20 = vector.shape_cast %get3A_19 : vector<1x1000x128xf32> to vector<1000x128xf32>
    %add3A_21 = arith.addf %get3A_15, %get3A_20 : vector<1000x128xf32>
    %div3A = vector.broadcast %max3A_10 : vector<1000x1xf32> to vector<1000x128xf32>
    %div3A_22 = arith.divf %add3A_21, %div3A : vector<1000x128xf32>
    %get3A_23 = arith.constant 0 : index
    %get3A_24 = arith.constant 0 : index
    %get3A_25 = vector.load %arg1[%get3A_23, %get3A_24] : memref<1000x128xf32, #tpu.memory_space<vmem>>, vector<1000x128xf32>
    %get3A_26 = arith.constant 0 : index
    %get3A_27 = arith.constant 0 : index
    %get3A_28 = vector.load %arg3[%get3A_26, %get3A_27] : memref<128x128xf32, #tpu.memory_space<vmem>>, vector<128x128xf32>
    %dot_general3A = arith.constant dense<0.000000e+00> : vector<1000x128xf32>
    %dot_general3A_29 = tpu.matmul %get3A_25, %get3A_28, %dot_general3A {dimension_numbers = #tpu.dot_dimension_numbers<[1], [0], [0], [1], [0, 0, 1, 1], [], []>, precision = #tpu.contract_precision<fp32>, transpose_lhs_hint = false} : vector<1000x128xf32>, vector<128x128xf32>, vector<1000x128xf32> -> vector<1000x128xf32>
    %get3A_30 = arith.constant 0 : index
    %get3A_31 = arith.constant 0 : index
    %get3A_32 = vector.load %arg4[%get3A_30, %get3A_31] : memref<128x128xf32, #tpu.memory_space<vmem>>, vector<128x128xf32>
    %dot_general3A_33 = arith.constant dense<0.000000e+00> : vector<1000x128xf32>
    %dot_general3A_34 = tpu.matmul %div3A_22, %get3A_32, %dot_general3A_33 {dimension_numbers = #tpu.dot_dimension_numbers<[1], [0], [0], [1], [0, 0, 1, 1], [], []>, precision = #tpu.contract_precision<fp32>, transpose_lhs_hint = false} : vector<1000x128xf32>, vector<128x128xf32>, vector<1000x128xf32> -> vector<1000x128xf32>
    %add3A_35 = arith.addf %dot_general3A_29, %dot_general3A_34 : vector<1000x128xf32>
    %get3A_36 = arith.constant 0 : index
    %get3A_37 = arith.constant 0 : index
    %get3A_38 = vector.load %arg5[%get3A_36, %get3A_37] : memref<1x128xf32, #tpu.memory_space<vmem>>, vector<1x128xf32>
    %add3A_39 = vector.broadcast %get3A_38 : vector<1x128xf32> to vector<1000x128xf32>
    %add3A_40 = arith.addf %add3A_35, %add3A_39 : vector<1000x128xf32>
    %max3A_41 = arith.constant 0.000000e+00 : f32
    %max3A_42 = vector.broadcast %max3A_41 : f32 to vector<1000x128xf32>
    %max3A_43 = arith.maximumf %add3A_40, %max3A_42 : vector<1000x128xf32>
    %swap3A = arith.constant 0 : index
    %swap3A_44 = arith.constant 0 : index
    %swap3A_45 = vector.load %arg6[%swap3A, %swap3A_44] : memref<1000x128xf32, #tpu.memory_space<vmem>>, vector<1000x128xf32>
    tpu.vector_store %arg6[%swap3A, %swap3A_44], %max3A_43 {strides = array<i32>} : memref<1000x128xf32, #tpu.memory_space<vmem>>, vector<1000x128xf32>,
    return
  }
  func.func @transform_0(%arg0: i32) -> (i32, i32) {
    %c0_i32 = arith.constant 0 : i32
    %c0_i32_0 = arith.constant 0 : i32
    return %arg0, %c0_i32 : i32, i32
  }
  func.func @transform_1(%arg0: i32) -> (i32, i32, i32) {
    %c0_i32 = arith.constant 0 : i32
    %c0_i32_0 = arith.constant 0 : i32
    %c0_i32_1 = arith.constant 0 : i32
    return %c0_i32, %arg0, %c0_i32_0 : i32, i32, i32
  }
  func.func @transform_2(%arg0: i32) -> (i32, i32) {
    %c0_i32 = arith.constant 0 : i32
    %c0_i32_0 = arith.constant 0 : i32
    %c0_i32_1 = arith.constant 0 : i32
    return %c0_i32, %c0_i32_0 : i32, i32
  }
  func.func @transform_3(%arg0: i32) -> (i32, i32) {
    %c0_i32 = arith.constant 0 : i32
    %c0_i32_0 = arith.constant 0 : i32
    %c0_i32_1 = arith.constant 0 : i32
    return %c0_i32, %c0_i32_0 : i32, i32
  }
  func.func @transform_4(%arg0: i32) -> (i32, i32) {
    %c0_i32 = arith.constant 0 : i32
    %c0_i32_0 = arith.constant 0 : i32
    %c0_i32_1 = arith.constant 0 : i32
    return %c0_i32, %c0_i32_0 : i32, i32
  }
  func.func @transform_5(%arg0: i32) -> (i32, i32) {
    %c0_i32 = arith.constant 0 : i32
    %c0_i32_0 = arith.constant 0 : i32
    return %arg0, %c0_i32 : i32, i32
  }
}

module attributes {stable_mosaic.version = 14 : i64} {
  func.func @_head_body(%arg0: i32, %arg1: memref<1000x128xf32, #tpu.memory_space<vmem>>, %arg2: memref<2x1000x128xf32, #tpu.memory_space<vmem>>, %arg3: memref<2x1000x144xf32, #tpu.memory_space<vmem>>, %arg4: memref<128x128xf32, #tpu.memory_space<vmem>>, %arg5: memref<128x128xf32, #tpu.memory_space<vmem>>, %arg6: memref<1x128xf32, #tpu.memory_space<vmem>>, %arg7: memref<128x128xf32, #tpu.memory_space<vmem>>, %arg8: memref<1x128xf32, #tpu.memory_space<vmem>>, %arg9: memref<128x128xf32, #tpu.memory_space<vmem>>, %arg10: memref<1x128xf32, #tpu.memory_space<vmem>>, %arg11: memref<128x128xf32, #tpu.memory_space<vmem>>, %arg12: memref<1x128xf32, #tpu.memory_space<vmem>>, %arg13: memref<1x128xf32, #tpu.memory_space<vmem>>, %arg14: memref<1x128xf32, #tpu.memory_space<vmem>>) attributes {dimension_semantics = [#tpu.dimension_semantics<arbitrary>], iteration_bounds = array<i64: 10>, scalar_prefetch = 0 : i64, scratch_operands = 1 : i64, tpu.core_type = #tpu.core_type<tc>, window_params = [{transform_indices = @transform_0, window_bounds = array<i64: 1000, 128>}, {transform_indices = @transform_1, window_bounds = array<i64: 2, 1000, 128>}, {transform_indices = @transform_2, window_bounds = array<i64: 2, 1000, 144>}, {pipeline_mode = #tpu.pipeline_mode<synchronous>, transform_indices = @transform_3, window_bounds = array<i64: 128, 128>}, {pipeline_mode = #tpu.pipeline_mode<synchronous>, transform_indices = @transform_4, window_bounds = array<i64: 128, 128>}, {pipeline_mode = #tpu.pipeline_mode<synchronous>, transform_indices = @transform_5, window_bounds = array<i64: 1, 128>}, {pipeline_mode = #tpu.pipeline_mode<synchronous>, transform_indices = @transform_6, window_bounds = array<i64: 128, 128>}, {pipeline_mode = #tpu.pipeline_mode<synchronous>, transform_indices = @transform_7, window_bounds = array<i64: 1, 128>}, {pipeline_mode = #tpu.pipeline_mode<synchronous>, transform_indices = @transform_8, window_bounds = array<i64: 128, 128>}, {pipeline_mode = #tpu.pipeline_mode<synchronous>, transform_indices = @transform_9, window_bounds = array<i64: 1, 128>}, {pipeline_mode = #tpu.pipeline_mode<synchronous>, transform_indices = @transform_10, window_bounds = array<i64: 128, 128>}, {pipeline_mode = #tpu.pipeline_mode<synchronous>, transform_indices = @transform_11, window_bounds = array<i64: 1, 128>}, {pipeline_mode = #tpu.pipeline_mode<synchronous>, transform_indices = @transform_12, window_bounds = array<i64: 1, 128>}]} {
    %get3A = arith.constant 0 : index
    %get3A_0 = arith.constant 0 : index
    %get3A_1 = arith.constant 128 : index
    %get3A_2 = vector.load %arg3[%get3A, %get3A_0, %get3A_1] : memref<2x1000x144xf32, #tpu.memory_space<vmem>>, vector<1x1000x1xf32>
    %get3A_3 = vector.shape_cast %get3A_2 : vector<1x1000x1xf32> to vector<1000x1xf32>
    %get3A_4 = arith.constant 1 : index
    %get3A_5 = arith.constant 0 : index
    %get3A_6 = arith.constant 128 : index
    %get3A_7 = vector.load %arg3[%get3A_4, %get3A_5, %get3A_6] : memref<2x1000x144xf32, #tpu.memory_space<vmem>>, vector<1x1000x1xf32>
    %get3A_8 = vector.shape_cast %get3A_7 : vector<1x1000x1xf32> to vector<1000x1xf32>
    %add3A = arith.addf %get3A_3, %get3A_8 : vector<1000x1xf32>
    %max3A = arith.constant 1.000000e+00 : f32
    %max3A_9 = vector.broadcast %max3A : f32 to vector<1000x1xf32>
    %max3A_10 = arith.maximumf %add3A, %max3A_9 : vector<1000x1xf32>
    %get3A_11 = arith.constant 0 : index
    %get3A_12 = arith.constant 0 : index
    %get3A_13 = arith.constant 0 : index
    %get3A_14 = vector.load %arg2[%get3A_11, %get3A_12, %get3A_13] : memref<2x1000x128xf32, #tpu.memory_space<vmem>>, vector<1x1000x128xf32>
    %get3A_15 = vector.shape_cast %get3A_14 : vector<1x1000x128xf32> to vector<1000x128xf32>
    %get3A_16 = arith.constant 1 : index
    %get3A_17 = arith.constant 0 : index
    %get3A_18 = arith.constant 0 : index
    %get3A_19 = vector.load %arg2[%get3A_16, %get3A_17, %get3A_18] : memref<2x1000x128xf32, #tpu.memory_space<vmem>>, vector<1x1000x128xf32>
    %get3A_20 = vector.shape_cast %get3A_19 : vector<1x1000x128xf32> to vector<1000x128xf32>
    %add3A_21 = arith.addf %get3A_15, %get3A_20 : vector<1000x128xf32>
    %div3A = vector.broadcast %max3A_10 : vector<1000x1xf32> to vector<1000x128xf32>
    %div3A_22 = arith.divf %add3A_21, %div3A : vector<1000x128xf32>
    %get3A_23 = arith.constant 0 : index
    %get3A_24 = arith.constant 0 : index
    %get3A_25 = vector.load %arg1[%get3A_23, %get3A_24] : memref<1000x128xf32, #tpu.memory_space<vmem>>, vector<1000x128xf32>
    %get3A_26 = arith.constant 0 : index
    %get3A_27 = arith.constant 0 : index
    %get3A_28 = vector.load %arg4[%get3A_26, %get3A_27] : memref<128x128xf32, #tpu.memory_space<vmem>>, vector<128x128xf32>
    %dot_general3A = arith.constant dense<0.000000e+00> : vector<1000x128xf32>
    %dot_general3A_29 = tpu.matmul %get3A_25, %get3A_28, %dot_general3A {dimension_numbers = #tpu.dot_dimension_numbers<[1], [0], [0], [1], [0, 0, 1, 1], [], []>, precision = #tpu.contract_precision<fp32>, transpose_lhs_hint = false} : vector<1000x128xf32>, vector<128x128xf32>, vector<1000x128xf32> -> vector<1000x128xf32>
    %get3A_30 = arith.constant 0 : index
    %get3A_31 = arith.constant 0 : index
    %get3A_32 = vector.load %arg5[%get3A_30, %get3A_31] : memref<128x128xf32, #tpu.memory_space<vmem>>, vector<128x128xf32>
    %dot_general3A_33 = arith.constant dense<0.000000e+00> : vector<1000x128xf32>
    %dot_general3A_34 = tpu.matmul %div3A_22, %get3A_32, %dot_general3A_33 {dimension_numbers = #tpu.dot_dimension_numbers<[1], [0], [0], [1], [0, 0, 1, 1], [], []>, precision = #tpu.contract_precision<fp32>, transpose_lhs_hint = false} : vector<1000x128xf32>, vector<128x128xf32>, vector<1000x128xf32> -> vector<1000x128xf32>
    %add3A_35 = arith.addf %dot_general3A_29, %dot_general3A_34 : vector<1000x128xf32>
    %get3A_36 = arith.constant 0 : index
    %get3A_37 = arith.constant 0 : index
    %get3A_38 = vector.load %arg6[%get3A_36, %get3A_37] : memref<1x128xf32, #tpu.memory_space<vmem>>, vector<1x128xf32>
    %add3A_39 = vector.broadcast %get3A_38 : vector<1x128xf32> to vector<1000x128xf32>
    %add3A_40 = arith.addf %add3A_35, %add3A_39 : vector<1000x128xf32>
    %max3A_41 = arith.constant 0.000000e+00 : f32
    %max3A_42 = vector.broadcast %max3A_41 : f32 to vector<1000x128xf32>
    %max3A_43 = arith.maximumf %add3A_40, %max3A_42 : vector<1000x128xf32>
    %eq3A = arith.constant 0 : i32
    %eq3A_44 = arith.cmpi eq, %arg0, %eq3A : i32
    %convert_element_type3A = arith.extui %eq3A_44 : i1 to i32
    %cond3A = arith.constant 0 : i32
    %cond3A_45 = arith.cmpi ne, %convert_element_type3A, %cond3A : i32
    scf.if %cond3A_45 {
      %broadcast_in_dim3A_58 = arith.constant 0.000000e+00 : f32
      %broadcast_in_dim3A_59 = vector.broadcast %broadcast_in_dim3A_58 : f32 to vector<1x128xf32>
      %swap3A_60 = arith.constant 0 : index
      %swap3A_61 = arith.constant 0 : index
      %swap3A_62 = vector.load %arg14[%swap3A_60, %swap3A_61] : memref<1x128xf32, #tpu.memory_space<vmem>>, vector<1x128xf32>
      tpu.vector_store %arg14[%swap3A_60, %swap3A_61], %broadcast_in_dim3A_59 {strides = array<i32>} : memref<1x128xf32, #tpu.memory_space<vmem>>, vector<1x128xf32>,
    } else {
    }
    %get3A_46 = arith.constant 0 : index
    %get3A_47 = arith.constant 0 : index
    %get3A_48 = vector.load %arg14[%get3A_46, %get3A_47] : memref<1x128xf32, #tpu.memory_space<vmem>>, vector<1x128xf32>
    %reduce_sum3A = arith.constant dense<0.000000e+00> : vector<128xf32>
    %reduce_sum3A_49 = vector.multi_reduction <add>, %max3A_43, %reduce_sum3A [0] : vector<1000x128xf32> to vector<128xf32>
    %broadcast_in_dim3A = vector.shape_cast %reduce_sum3A_49 : vector<128xf32> to vector<1x128xf32>
    %add3A_50 = arith.addf %get3A_48, %broadcast_in_dim3A : vector<1x128xf32>
    %swap3A = arith.constant 0 : index
    %swap3A_51 = arith.constant 0 : index
    %swap3A_52 = vector.load %arg14[%swap3A, %swap3A_51] : memref<1x128xf32, #tpu.memory_space<vmem>>, vector<1x128xf32>
    tpu.vector_store %arg14[%swap3A, %swap3A_51], %add3A_50 {strides = array<i32>} : memref<1x128xf32, #tpu.memory_space<vmem>>, vector<1x128xf32>,
    %eq3A_53 = arith.constant 9 : i32
    %eq3A_54 = arith.cmpi eq, %arg0, %eq3A_53 : i32
    %convert_element_type3A_55 = arith.extui %eq3A_54 : i1 to i32
    %cond3A_56 = arith.constant 0 : i32
    %cond3A_57 = arith.cmpi ne, %convert_element_type3A_55, %cond3A_56 : i32
    scf.if %cond3A_57 {
      %get3A_58 = arith.constant 0 : index
      %get3A_59 = arith.constant 0 : index
      %get3A_60 = vector.load %arg14[%get3A_58, %get3A_59] : memref<1x128xf32, #tpu.memory_space<vmem>>, vector<1x128xf32>
      %mul3A = arith.constant 9.99999974E-5 : f32
      %mul3A_61 = vector.broadcast %mul3A : f32 to vector<1x128xf32>
      %mul3A_62 = arith.mulf %get3A_60, %mul3A_61 : vector<1x128xf32>
      %get3A_63 = arith.constant 0 : index
      %get3A_64 = arith.constant 0 : index
      %get3A_65 = vector.load %arg7[%get3A_63, %get3A_64] : memref<128x128xf32, #tpu.memory_space<vmem>>, vector<128x128xf32>
      %dot_general3A_66 = arith.constant dense<0.000000e+00> : vector<1x128xf32>
      %dot_general3A_67 = tpu.matmul %mul3A_62, %get3A_65, %dot_general3A_66 {dimension_numbers = #tpu.dot_dimension_numbers<[1], [0], [0], [1], [0, 0, 1, 1], [], []>, precision = #tpu.contract_precision<fp32>, transpose_lhs_hint = false} : vector<1x128xf32>, vector<128x128xf32>, vector<1x128xf32> -> vector<1x128xf32>
      %get3A_68 = arith.constant 0 : index
      %get3A_69 = arith.constant 0 : index
      %get3A_70 = vector.load %arg8[%get3A_68, %get3A_69] : memref<1x128xf32, #tpu.memory_space<vmem>>, vector<1x128xf32>
      %add3A_71 = arith.addf %dot_general3A_67, %get3A_70 : vector<1x128xf32>
      %jit3A = arith.constant 0.000000e+00 : f32
      %jit3A_72 = arith.constant 6.000000e+00 : f32
      %max3A_73 = vector.broadcast %jit3A : f32 to vector<1x128xf32>
      %max3A_74 = arith.maximumf %max3A_73, %add3A_71 : vector<1x128xf32>
      %min3A = vector.broadcast %jit3A_72 : f32 to vector<1x128xf32>
      %min3A_75 = arith.minimumf %min3A, %max3A_74 : vector<1x128xf32>
      %get3A_76 = arith.constant 0 : index
      %get3A_77 = arith.constant 0 : index
      %get3A_78 = vector.load %arg9[%get3A_76, %get3A_77] : memref<128x128xf32, #tpu.memory_space<vmem>>, vector<128x128xf32>
      %dot_general3A_79 = arith.constant dense<0.000000e+00> : vector<1x128xf32>
      %dot_general3A_80 = tpu.matmul %min3A_75, %get3A_78, %dot_general3A_79 {dimension_numbers = #tpu.dot_dimension_numbers<[1], [0], [0], [1], [0, 0, 1, 1], [], []>, precision = #tpu.contract_precision<fp32>, transpose_lhs_hint = false} : vector<1x128xf32>, vector<128x128xf32>, vector<1x128xf32> -> vector<1x128xf32>
      %get3A_81 = arith.constant 0 : index
      %get3A_82 = arith.constant 0 : index
      %get3A_83 = vector.load %arg10[%get3A_81, %get3A_82] : memref<1x128xf32, #tpu.memory_space<vmem>>, vector<1x128xf32>
      %add3A_84 = arith.addf %dot_general3A_80, %get3A_83 : vector<1x128xf32>
      %jit3A_85 = arith.constant 0.000000e+00 : f32
      %jit3A_86 = arith.constant 6.000000e+00 : f32
      %max3A_87 = vector.broadcast %jit3A_85 : f32 to vector<1x128xf32>
      %max3A_88 = arith.maximumf %max3A_87, %add3A_84 : vector<1x128xf32>
      %min3A_89 = vector.broadcast %jit3A_86 : f32 to vector<1x128xf32>
      %min3A_90 = arith.minimumf %min3A_89, %max3A_88 : vector<1x128xf32>
      %get3A_91 = arith.constant 0 : index
      %get3A_92 = arith.constant 0 : index
      %get3A_93 = vector.load %arg11[%get3A_91, %get3A_92] : memref<128x128xf32, #tpu.memory_space<vmem>>, vector<128x128xf32>
      %dot_general3A_94 = arith.constant dense<0.000000e+00> : vector<1x128xf32>
      %dot_general3A_95 = tpu.matmul %min3A_90, %get3A_93, %dot_general3A_94 {dimension_numbers = #tpu.dot_dimension_numbers<[1], [0], [0], [1], [0, 0, 1, 1], [], []>, precision = #tpu.contract_precision<fp32>, transpose_lhs_hint = false} : vector<1x128xf32>, vector<128x128xf32>, vector<1x128xf32> -> vector<1x128xf32>
      %get3A_96 = arith.constant 0 : index
      %get3A_97 = arith.constant 0 : index
      %get3A_98 = vector.load %arg12[%get3A_96, %get3A_97] : memref<1x128xf32, #tpu.memory_space<vmem>>, vector<1x128xf32>
      %add3A_99 = arith.addf %dot_general3A_95, %get3A_98 : vector<1x128xf32>
      %swap3A_100 = arith.constant 0 : index
      %swap3A_101 = arith.constant 0 : index
      %swap3A_102 = vector.load %arg13[%swap3A_100, %swap3A_101] : memref<1x128xf32, #tpu.memory_space<vmem>>, vector<1x128xf32>
      tpu.vector_store %arg13[%swap3A_100, %swap3A_101], %add3A_99 {strides = array<i32>} : memref<1x128xf32, #tpu.memory_space<vmem>>, vector<1x128xf32>,
    } else {
    }
    return
  }
  func.func @transform_0(%arg0: i32) -> (i32, i32) {
    %c0_i32 = arith.constant 0 : i32
    %c0_i32_0 = arith.constant 0 : i32
    return %arg0, %c0_i32 : i32, i32
  }
  func.func @transform_1(%arg0: i32) -> (i32, i32, i32) {
    %c0_i32 = arith.constant 0 : i32
    %c0_i32_0 = arith.constant 0 : i32
    %c0_i32_1 = arith.constant 0 : i32
    return %c0_i32, %arg0, %c0_i32_0 : i32, i32, i32
  }
  func.func @transform_2(%arg0: i32) -> (i32, i32, i32) {
    %c0_i32 = arith.constant 0 : i32
    %c0_i32_0 = arith.constant 0 : i32
    %c0_i32_1 = arith.constant 0 : i32
    return %c0_i32, %arg0, %c0_i32_0 : i32, i32, i32
  }
  func.func @transform_3(%arg0: i32) -> (i32, i32) {
    %c0_i32 = arith.constant 0 : i32
    %c0_i32_0 = arith.constant 0 : i32
    %c0_i32_1 = arith.constant 0 : i32
    return %c0_i32, %c0_i32_0 : i32, i32
  }
  func.func @transform_4(%arg0: i32) -> (i32, i32) {
    %c0_i32 = arith.constant 0 : i32
    %c0_i32_0 = arith.constant 0 : i32
    %c0_i32_1 = arith.constant 0 : i32
    return %c0_i32, %c0_i32_0 : i32, i32
  }
  func.func @transform_5(%arg0: i32) -> (i32, i32) {
    %c0_i32 = arith.constant 0 : i32
    %c0_i32_0 = arith.constant 0 : i32
    %c0_i32_1 = arith.constant 0 : i32
    return %c0_i32, %c0_i32_0 : i32, i32
  }
  func.func @transform_6(%arg0: i32) -> (i32, i32) {
    %c0_i32 = arith.constant 0 : i32
    %c0_i32_0 = arith.constant 0 : i32
    %c0_i32_1 = arith.constant 0 : i32
    return %c0_i32, %c0_i32_0 : i32, i32
  }
  func.func @transform_7(%arg0: i32) -> (i32, i32) {
    %c0_i32 = arith.constant 0 : i32
    %c0_i32_0 = arith.constant 0 : i32
    %c0_i32_1 = arith.constant 0 : i32
    return %c0_i32, %c0_i32_0 : i32, i32
  }
  func.func @transform_8(%arg0: i32) -> (i32, i32) {
    %c0_i32 = arith.constant 0 : i32
    %c0_i32_0 = arith.constant 0 : i32
    %c0_i32_1 = arith.constant 0 : i32
    return %c0_i32, %c0_i32_0 : i32, i32
  }
  func.func @transform_9(%arg0: i32) -> (i32, i32) {
    %c0_i32 = arith.constant 0 : i32
    %c0_i32_0 = arith.constant 0 : i32
    %c0_i32_1 = arith.constant 0 : i32
    return %c0_i32, %c0_i32_0 : i32, i32
  }
  func.func @transform_10(%arg0: i32) -> (i32, i32) {
    %c0_i32 = arith.constant 0 : i32
    %c0_i32_0 = arith.constant 0 : i32
    %c0_i32_1 = arith.constant 0 : i32
    return %c0_i32, %c0_i32_0 : i32, i32
  }
  func.func @transform_11(%arg0: i32) -> (i32, i32) {
    %c0_i32 = arith.constant 0 : i32
    %c0_i32_0 = arith.constant 0 : i32
    %c0_i32_1 = arith.constant 0 : i32
    return %c0_i32, %c0_i32_0 : i32, i32
  }
  func.func @transform_12(%arg0: i32) -> (i32, i32) {
    %c0_i32 = arith.constant 0 : i32
    %c0_i32_0 = arith.constant 0 : i32
    %c0_i32_1 = arith.constant 0 : i32
    return %c0_i32, %c0_i32_0 : i32, i32
  }
}

</mosaic_0001>

<sc_bundles>
// kernel: kernel.6.cloned.1.call-start
scs
__scs_entry_jumppad:
0x0: {  	(pc) =	sbr.rel $0x88, $3  }
0x1: {  	(tag) =	ssettag $0x0;
	lr =	simm.s32 $0x1  }
0x2: {  	[smem:$0x3F93] =	sst lr;
	_ =	strace $0xD0000000  }
0x3: {  	_ = 	snop  }
0x4: {  	_ = 	snop  }
0x5: {  	_ = 	snop  }
0x6: {  	_ = 	snop  }
0x7: {  	_ = 	snop  }
__scs_overlays_trampoline_lowered:
0x8: {  	[smem:$0x3FA2] =	sst s0  }
0x9: {  	[smem:$0x3FA3] =	sst s1  }
0xa: {  	[smem:$0x3FA4] =	sst s2  }
0xb: {  	[smem:$0x3FA5] =	sst s3  }
0xc: {  	[smem:$0x3FA6] =	sst s4  }
0xd: {  	[smem:$0x3FA7] =	sst s5  }
0xe: {  	[smem:$0x3FA8] =	sst s6  }
0xf: {  	[smem:$0x3FA9] =	sst s7  }
0x10: {  	[smem:$0x3FAA] =	sst s8  }
0x11: {  	[smem:$0x3FAB] =	sst s9;
	s0 =	simm.s32 @!p0 $0x0  }
0x12: {  	s1 =	sld [smem:$0x3F91];
	s0 =	simm.s32 @p0 $0x1  }
0x13: {  	[smem:$0x3FAC] =	sst s0;
	s0 =	simm.s32 @!p1 $0x0  }
0x14: {  	s2 =	sld [smem:$0x3F90];
	s0 =	simm.s32 @p1 $0x1  }
0x15: {  	[smem:$0x3FAD] =	sst s0;
	s0 =	simm.s32 @!p2 $0x0  }
0x16: {  	s3 =	sld [smem:$0x3FDB];
	s0 =	simm.s32 @p2 $0x1  }
0x17: {  	s4 =	simm.s32 $0x1BF5;
	[smem:$0x3FAF] =	sst s0  }
0x18: {  	s0 =	sld [smem:$0x3F92];
	_ =	swait.ge [sflag:s4], $0x0  }
0x19: {  	s7 =	sld [smem:$0x3F93]  }
0x1a: {  	s8 =	sadd.s32 $0xFFFFE003, lr  }
0x1b: {  	s9 =	sadd.s32 $0xFFFFFEF7, lr;
	s5 =	simm.s32 $0xFFFFFFFF;
	p2 =	slt.u32 s8, $0xFFFFF086  }
0x1c: {  	p1 =	slt.u32 s9, $0xF7A;
	s5 =	simm.s32 @!p2 $0x0  }
0x1d: {  	s5 =	simm.s32 @p1 $0x1;
	p0 =	seq.s32 s7, s2  }
0x1e: {  	s7 =	smul.u32 @!p0 $0xF7A, s2;
	p2 =	seq.s32 @!p0 s5, $0x0  }
0x1f: {  	s9 =	smul.u32 $0xF7A, s1;
	s8 =	simm.s32 @!p0 $0x1BF5;
	p2 =	por !p2, p0  }
0x20: {  	[sflag:s8] =	ssyncset.s32 @!p0 $0xFFFFF086;
	s6 =	sadd.s32 @!p0 s3, s7;
	s7 =	simm.s32 @!p0 $0x108  }
0x21: {  	s3 =	sadd.s32 s3, s9;
	s6 =	sadd.s32 @!p0 $0x88, s6;
	s7 =	simm.s32 @p2 $0x1082  }
0x22: {  	[simem:s7], [sflag:s8] =	dma.local @!p0 [hbm:s6], $0xF7A  }
0x23: {  	s9 =	sor.u32 $0xD0000000, s2;
	s6 =	simm.s32 $0x108;
	_ =	swait.ge @!p0 [sflag:s8], $0x0  }
0x24: {  	s3 =	sadd.s32 $0x88, s3;
	s6 =	simm.s32 @!p1 $0x1082;
	[sflag:s4] =	ssyncset.s32 $0xFFFFF086  }
0x25: {  	[simem:s6], [sflag:s4] =	dma.local [hbm:s3], $0xF7A  }
0x26: {  	[smem:$0x3F93] =	sst s1;
	(tag) =	ssettag s2;
	_ =	strace s9  }
0x27: {  	s1 =	sld [smem:$0x3FA3]  }
0x28: {  	s2 =	sld [smem:$0x3FA4]  }
0x29: {  	s4 =	sld [smem:$0x3FA6]  }
0x2a: {  	p0 =	seq.s32 s5, $0x0;
	s5 =	sld [smem:$0x3FA7]  }
0x2b: {  	s6 =	sld [smem:$0x3FA8]  }
0x2c: {  	s7 =	sld [smem:$0x3FA9]  }
0x2d: {  	s3 =	simm.s32 $0x108;
	s8 =	sld [smem:$0x3FAA]  }
0x2e: {  	s3 =	simm.s32 @!p0 $0x1082;
	s9 =	sld [smem:$0x3FAB]  }
0x2f: {  	lr =	sadd.s32 s0, s3;
	s0 =	sld [smem:$0x3FA2]  }
0x30: {  	s3 =	sld [smem:$0x3FA5]  }
0x31: {  	[smem:$0x3FAE] =	sst s10  }
0x32: {  	s10 =	sld [smem:$0x3FAC];
	_ =	sdelay $0x3  }
0x33: {  	p0 =	seq.s32 s10, $0x1;
	s10 =	sld [smem:$0x3FAE];
	_ =	sdelay $0x3  }
0x34: {  	[smem:$0x3FAE] =	sst s10  }
0x35: {  	s10 =	sld [smem:$0x3FAD];
	_ =	sdelay $0x3  }
0x36: {  	p1 =	seq.s32 s10, $0x1;
	s10 =	sld [smem:$0x3FAE];
	_ =	sdelay $0x3  }
0x37: {  	[smem:$0x3FAE] =	sst s10  }
0x38: {  	s10 =	sld [smem:$0x3FAF]  }
0x39: {  	_ = 	snop;
	(pc) =	sbr.ind lr, $3  }
0x3a: {  	_ = 	snop  }
0x3b: {  	_ = 	snop  }
0x3c: {  	p2 =	seq.s32 s10, $0x1;
	s10 =	sld [smem:$0x3FAE]  }
0x3d: {  	_ =	shalt  }
0x3e: {  	_ =	shalt  }
0x3f: {  	_ =	shalt  }
0x40: {  	_ =	shalt  }
0x41: {  	_ =	shalt  }
0x42: {  	_ =	shalt  }
0x43: {  	_ =	shalt  }
0x44: {  	_ =	shalt  }
0x45: {  	_ =	shalt  }
0x46: {  	_ =	shalt  }
0x47: {  	_ =	shalt  }
0x48: {  	_ =	shalt  }
0x49: {  	_ =	shalt  }
0x4a: {  	_ =	shalt  }
0x4b: {  	_ =	shalt  }
0x4c: {  	_ =	shalt  }
0x4d: {  	_ =	shalt  }
0x4e: {  	_ =	shalt  }
0x4f: {  	_ =	shalt  }
0x50: {  	_ =	shalt  }
0x51: {  	_ =	shalt  }
0x52: {  	_ =	shalt  }
0x53: {  	_ =	shalt  }
0x54: {  	_ =	shalt  }
0x55: {  	_ =	shalt  }
0x56: {  	_ =	shalt  }
0x57: {  	_ =	shalt  }
0x58: {  	_ =	shalt  }
0x59: {  	_ =	shalt  }
0x5a: {  	_ =	shalt  }
0x5b: {  	_ =	shalt  }
0x5c: {  	_ =	shalt  }
0x5d: {  	_ =	shalt  }
0x5e: {  	_ =	shalt  }
0x5f: {  	_ =	shalt  }
0x60: {  	_ =	shalt  }
0x61: {  	_ =	shalt  }
0x62: {  	_ =	shalt  }
0x63: {  	_ =	shalt  }
0x64: {  	_ =	shalt  }
0x65: {  	_ =	shalt  }
0x66: {  	_ =	shalt  }
0x67: {  	_ =	shalt  }
0x68: {  	_ =	shalt  }
0x69: {  	_ =	shalt  }
0x6a: {  	_ =	shalt  }
0x6b: {  	_ =	shalt  }
0x6c: {  	_ =	shalt  }
0x6d: {  	_ =	shalt  }
0x6e: {  	_ =	shalt  }
0x6f: {  	_ =	shalt  }
0x70: {  	_ =	shalt  }
0x71: {  	_ =	shalt  }
0x72: {  	_ =	shalt  }
0x73: {  	_ =	shalt  }
0x74: {  	_ =	shalt  }
0x75: {  	_ =	shalt  }
0x76: {  	_ =	shalt  }
0x77: {  	_ =	shalt  }
0x78: {  	_ =	shalt  }
0x79: {  	_ =	shalt  }
0x7a: {  	_ =	shalt  }
0x7b: {  	_ =	shalt  }
0x7c: {  	_ =	shalt  }
0x7d: {  	_ =	shalt  }
0x7e: {  	_ =	shalt  }
0x7f: {  	_ =	shalt  }
0x80: {  	_ =	shalt  }
0x81: {  	_ =	shalt  }
0x82: {  	_ =	shalt  }
0x83: {  	_ =	shalt  }
0x84: {  	_ =	shalt  }
0x85: {  	_ =	shalt  }
0x86: {  	_ =	shalt  }
0x87: {  	_ =	shalt  }
.Lfunc_end0:
.L_simem_size_0:
called_computation_lowered:
.L_overlay_start_0:
0x88: {  	s2 =	sld [smem:$0x3FD9]  }
0x89: {  	s3 =	sld [smem:$0x3FFE];
	_ =	sdelay $0x1  }
0x8a: {  	s1 =	srdreg.scid  }
0x8b: {  	s0 =	sand.u32 $0x1, s1  }
0x8c: {  	s16 =	sshll.u32 s0, $0xA;
	s2 =	sadd.s32 s3, s2  }
0x8d: {  	s2 =	sadd.s32 s2, s16  }
0x8e: {  	[smem:$0x3FBA] =	sst s2  }
0x8f: {  	_ = 	snop  }
0x90: {  	(tm) =	ssettm $0x1  }
0x91: {  	s17 =	sld [smem:$0x3FFB];
	_ =	sdelay $0x3  }
0x92: {  	_ =	strace s17  }
0x93: {  	s2 =	sld [smem:$0x3FFC];
	_ =	sdelay $0x3  }
0x94: {  	_ =	strace s2  }
0x95: {  	s2 =	sld [smem:$0x3FFD];
	_ =	sdelay $0x3  }
0x96: {  	_ =	strace s2  }
0x97: {  	_ =	strace $0x8FFFFFFF  }
0x98: {  	s18 =	sld [smem:$0x3FDB];
	_ =	sdelay $0x1  }
0x99: {  	s19 =	simm.s32 $_scs_section_size  }
0x9a: {  	s4 =	simm.s32 $_size__tile_overlayer_lowered;
	s5 =	simm.s32 $_tile_overlayer_lowered  }
0x9b: {  	s22 =	simm.s32 $0x1BFF;
	s21 =	sshll.u32 s5, $0x1;
	s2 =	sadd.s32 s19, s18  }
0x9c: {  	s6 =	simm.s32 $0x0;
	s20 =	sshll.u32 s4, $0x1;
	s4 =	sadd.s32 s21, s2  }
0x9d: {  	[timem:s6], [sflag:s22] =	dma.local [hbm:s4], s20  }
0x9e: {  	_ =	swait.ge [sflag:s22], s20  }
0x9f: {  	s3 =	ssub.s32 $0x0, s20;
	[sflag:s22] =	ssyncset.done $0x0  }
0xa0: {  	[sflag:s22] =	ssyncadd.s32 s3;
	_ =	sdelay $0x1  }
0xa1: {  	s23 =	simm.s32 $0x1B8B  }
0xa2: {  	_ =	swait.ge [sflag:s23], $0x1  }
0xa3: {  	[sflag:s23] =	ssyncset.done $0x0  }
0xa4: {  	s25 =	simm.s32 $0x1B8E;
	s24 =	sld [smem:$0x3FFE];
	[sflag:s23] =	ssyncadd.s32 $0xFFFFFFFF  }
0xa5: {  	s26 =	simm.s32 $execute0_lowered;
	[smem:$0x3FD2] =	sst s25  }
0xa6: {  	s4 =	sshll.u32 s26, $0x1;
	_ =	strace $0x80000046;
	[dreg:$0x1] =	wrdreg $0xFFFFFFFF  }
0xa7: {  	s28 =	simm.s32 $_size_execute0_lowered;
	s2 =	sadd.s32 s2, s4;
	[dreg:$0x0] =	wrdreg $0x0  }
0xa8: {  	s4 =	sshll.u32 s28, $0x1;
	[dreg:$0x2] =	wrdreg s2  }
0xa9: {  	[dreg:$0x3] =	wrdreg s4  }
0xaa: {  	[dreg:$0x4] =	wrdreg $0xC0  }
0xab: {  	_ =	task [dreg:s6], $0x5FFFF  }
0xac: {  	[dreg:$0x1] =	wrdreg $0xFFFFFFFF  }
0xad: {  	[dreg:$0x0] =	wrdreg $0x60  }
0xae: {  	[dreg:$0x2] =	wrdreg s24  }
0xaf: {  	[dreg:$0x3] =	wrdreg $0x0  }
0xb0: {  	[dreg:$0x4] =	wrdreg $0x9  }
0xb1: {  	_ =	task.clear_ibuf [dreg:s6], $0x5FFFF;
	_ =	strace $0x90000046  }
0xb2: {  	s29 =	simm.s32 $0x9;
	_ =	strace $0x80000048  }
0xb3: {  	_ =	swait.ge [sflag:s29], $0x1  }
0xb4: {  	[sflag:s29] =	ssyncadd.s32 $0xFFFFFFFF  }
0xb5: {  	_ =	strace $0x90000048  }
0xb6: {  	_ =	sfence  }
0xb7: {  	s30 =	sld [smem:$0x0];
	_ =	sdelay $0x2  }
0xb8: {  	s31 =	sshll.u32 s1, $0xD;
	s1 =	sshrl.u32 s1, $0x2  }
0xb9: {  	s3 =	sand.u32 $0x4000, s31;
	s1 =	sadd.s32 s1, s30  }
0xba: {  	s0 =	sor.u32 s3, s0;
	s1 =	sshll.u32 s1, $0x11  }
0xbb: {  	s0 =	sor.u32 s1, s0  }
0xbc: {  	s0 =	sadd.s32 $0x8F2B, s0  }
0xbd: {  	[sflag:s0] =	ssyncadd.remote.s32 $0x1  }
0xbe: {  	_ =	sfence.sel $0xFFFF  }
0xbf: {  	[dreg:$0x0] =	wrdreg $0xFFFFFFFF;
	(pc) =	sbr.abs _section_cstart, $3  }
0xc0: {  	[dreg:$0x1] =	wrdreg $0xFFFFFFFF  }
0xc1: {  	_ =	task.clear_ibuf [dreg:s6], $0x2FFFF;
	_ =	strace $0x9FFFFFFF  }
0xc2: {  	(tm) =	ssettm $0x7FFFFFFF  }
0xc3: {  	_ =	shalt  }
tec
execute0_lowered:
.L_overlay_start_1:
0x0: {  	(tag) =	ssettag $0x1  }
0x1: {  	s7 =	rddreg [dreg:$0x0]  }
0x2: {  	s1 =	rddreg [dreg:$0x1]  }
0x3: {  	s3 =	simm.s32 $0x0;
	s2 =	srdreg.scid;
	s16 =	simm.s32 $0x16B80  }
0x4: {  	s17 =	simm.s32 $0x3;
	s18 =	simm.s32 $0x70;
	s19 =	simm.s32 $0x16F00  }
0x5: {  	s20 =	simm.s32 $0x1;
	s21 =	simm.s32 $0x1AE00;
	s22 =	simm.s32 $0x2  }
0x6: {  	s24 =	simm.s32 $0x0;
	[smem:$0x7FF] =	sst s3;
	s8 =	sand.u32 $0x1, s2  }
0x7: {  	s2 =	stileid.u32;
	s4 =	sadd.s32 $0x2EA00, s7;
	s5 =	sadd.s32 $0x38C00, s7  }
0x8: {  	s6 =	sadd.s32 $0x2A00, s7;
	s9 =	smul.u32 $0x168000, s8;
	_ =	strace $0x80000047  }
0x9: {  	s11 =	smul.u32 $0x16800, s2;
	s10 =	sshll.u32 s8, $0x4;
	s8 =	ssub.s32 $0x2, s8  }
0xa: {  	s14 =	smul.u32 $0x5A000, s2;
	s10 =	sor.u32 s2, s10;
	s30 =	sshrl.u32 s8, $0x1  }
0xb: {  	s9 =	sadd.s32 s11, s9;
	s12 =	smul.u32 $0x508, s10;
	s15 =	ssub.s32 s8, s30  }
.Ltmp0:
0xc: {  	s31 =	sshrl.u32 s14, $0x2;
	s23 =	sadd.s32 s11, s1;
	(pc) =	sbr.rel .LBB2_1-.Ltmp0, $4  }
0xd: {  	s14 =	simm.s32 $0x4;
	s9 =	sshrl.u32 s9, $0x3;
	s11 =	smax.u32 s15, $0x1  }
0xe: {  	s15 =	simm.s32 $0x16800;
	s23 =	sshrl.u32 s23, $0x3;
	s13 =	sadd.s32 s9, s7  }
0xf: {  	s7 =	smul.u32 $0x5C, s10;
	s8 =	sadd.s32 s4, s12;
	s9 =	sadd.s32 s5, s12  }
0x10: {  	v0 =	vimm.f32 $0.0e+00;
	s12 =	sadd.s32 s31, s1;
	s10 =	sadd.s32 $0x42E00, s13;
	s13 =	simm.s32 $0x1ED00  }
.LBB2_10:
0x11: {  	_ =	swait.ge [sflag:s22], $0x3F00  }
0x12: {  	s24 =	sadd.s32 $0x1, s24;
	[sflag:s22] =	ssyncset.done $0x0  }
0x13: {  	s0 =	sshll.u32 s2, $0x6;
	p0 =	sne.s32 s24, s11;
	[sflag:s22] =	ssyncadd.s32 $0xFFFFC100  }
.Ltmp1:
0x14: {  	s0 =	sor.u32 $0x1C04, s0;
	[bflag:$0x0] =	sbarrier.arrive $0xFFFF;
	(pc) =	sbr.rel @!p0 .LBB2_11-.Ltmp1, $4  }
0x15: {  	[hbm:s10], [sflag:s0] =	dma.local [spmem:s23], $0x2D00  }
0x16: {  	_ =	swait.ge [sflag:s14], $0x2D00  }
0x17: {  	[sflag:s14] =	ssyncset.done $0x0  }
0x18: {  	[sflag:s14] =	ssyncadd.s32 $0xFFFFD300  }
.LBB2_1:
0x19: {  	s25 =	simm.s32 $0x0;
	s26 =	simm.s32 $0x240  }
.LBB2_2:
0x1a: {  	p0 =	sne.s32 s26, $0x21C0;
	[tilespmem:s25+$0x1ED80] =	vst v0  }
0x1b: {  	[tilespmem:s25+$0x1ED00] =	vst v0  }
0x1c: {  	[tilespmem:s25+$0x1ED10] =	vst v0  }
0x1d: {  	[tilespmem:s25+$0x1ED20] =	vst v0  }
.Ltmp2:
0x1e: {  	[tilespmem:s25+$0x1ED30] =	vst v0;
	(pc) =	sbr.rel @p0 .LBB2_2-.Ltmp2, $4  }
0x1f: {  	[tilespmem:s25+$0x1ED40] =	vst v0  }
0x20: {  	[tilespmem:s25+$0x1ED50] =	vst v0  }
0x21: {  	[tilespmem:s25+$0x1ED60] =	vst v0  }
0x22: {  	[tilespmem:s25+$0x1ED70] =	vst v0;
	s25 =	sshra.s32 s26, $0x2;
	s26 =	sadd.s32 $0x240, s26  }
0x23: {  	[tilespmem:s25+$0x1ED80] =	vst v0  }
0x24: {  	[tilespmem:s25+$0x1ED00] =	vst v0  }
0x25: {  	[tilespmem:s25+$0x1ED10] =	vst v0  }
0x26: {  	[tilespmem:s25+$0x1ED20] =	vst v0  }
0x27: {  	[tilespmem:s25+$0x1ED30] =	vst v0  }
0x28: {  	[tilespmem:s25+$0x1ED40] =	vst v0  }
0x29: {  	[tilespmem:s25+$0x1ED50] =	vst v0  }
0x2a: {  	[tilespmem:s25+$0x1ED60] =	vst v0  }
0x2b: {  	[tilespmem:s25+$0x1ED70] =	vst v0;
	s31 =	sadd.s32 $0x0, s12  }
0x2c: {  	[spmem:s31] =	stream.linear.scatter [tilespmem:s13], [sflag:$0x4], $0x900, $0x38;
	[tilespmem:$0x1F600] =	vst v63  }
0x2d: {  	s25 =	simm.s32 $0x2400;
	_ =	swait.ge [sflag:s14], $0x900  }
.LBB2_4:
0x2e: {  	s26 =	sshra.s32 s25, $0x2;
	[sflag:s14] =	ssyncset.done $0x0;
	p0 =	sne.s32 s25, $0x57C00  }
.Ltmp3:
0x2f: {  	s26 =	sadd.s32 s26, s12;
	[sflag:s14] =	ssyncadd.s32 $0xFFFFF700;
	(pc) =	sbr.rel @p0 .LBB2_4-.Ltmp3, $3  }
0x30: {  	[spmem:s26] =	stream.linear.scatter [tilespmem:s13], [sflag:$0x4], $0x900, $0x38;
	[tilespmem:$0x1F600] =	vst v63  }
0x31: {  	s25 =	sadd.s32 $0x2400, s25;
	_ =	sdelay $0x1  }
0x32: {  	_ =	swait.ge [sflag:s14], $0x900  }
0x33: {  	[sflag:s14] =	ssyncset.done $0x0  }
0x34: {  	[sflag:s14] =	ssyncadd.s32 $0xFFFFF700  }
0x35: {  	s25 =	simm.s32 $0x0;
	[bflag:$0x0] =	sbarrier.arrive $0xFFFF  }
0x36: {  	[tilespmem:s15], [sflag:$0x3] =	stream.linear.gather [hbm4b:s8+s25], $0x1C0, $0x38;
	[tilespmem:$0x1F600] =	vst v63  }
0x37: {  	_ = 	snop  }
0x38: {  	[tilespmem:s16], [sflag:$0x3] =	stream.linear.gather [hbm4b:s9+s25], $0x1C0, $0x38;
	[tilespmem:$0x1F600] =	vst v63  }
0x39: {  	_ =	swait.ge [sflag:s17], $0x1C0  }
0x3a: {  	[sflag:s17] =	ssyncset.done $0x0  }
.Ltmp4:
0x3b: {  	[sflag:s17] =	ssyncadd.s32 $0xFFFFFE40;
	(pc) =	sbr.rel .LBB2_6-.Ltmp4, $4  }
0x3c: {  	_ =	swait.ge [sflag:s17], $0x1C0  }
0x3d: {  	[sflag:s17] =	ssyncset.done $0x0  }
0x3e: {  	[sflag:s17] =	ssyncadd.s32 $0xFFFFFE40  }
0x3f: {  	[tilespmem:s19], [sflag:$0x1] =	stream.indirect.gather [hbm4b:s6+s18], $0x90, s15, s18, $0xb8;
	[tilespmem:$0x1F600] =	vst v63  }
.LBB2_8:
0x40: {  	s25 =	sadd.s32 @!p0 $0x1, s25  }
0x41: {  	s25 =	simm.s32 @p0 $0x1  }
0x42: {  	s29 =	sshll.u32 s25, $0x2  }
0x43: {  	s30 =	smul.u32 $0x1C0, s26;
	s29 =	sadd.s32 s7, s29  }
0x44: {  	s29 =	smul.u32 $0xE, s29;
	_ =	sdelay $0x1  }
0x45: {  	s31 =	sor.u32 $0x16800, s30;
	s0 =	sadd.s32 s4, s29  }
0x46: {  	[tilespmem:s31], [sflag:$0x3] =	stream.linear.gather [hbm4b:s0+s3], $0x1C0, $0x38;
	[tilespmem:$0x1F600] =	vst v63  }
0x47: {  	p0 =	por $0x0, $0x0;
	s29 =	sadd.s32 s5, s29;
	s31 =	sadd.s32 $0x16B80, s30  }
0x48: {  	[tilespmem:s31], [sflag:$0x3] =	stream.linear.gather [hbm4b:s29+s3], $0x1C0, $0x38;
	[tilespmem:$0x1F600] =	vst v63  }
.LBB2_9:
0x49: {  	s0 =	smul.u32 $0x1C0, s28;
	_ =	sdelay $0x1  }
0x4a: {  	s28 =	sadd.s32 $0x16870, s0  }
0x4b: {  	[tilespmem:s21], [sflag:$0x1] =	stream.indirect.gather [hbm4b:s6+s18], $0x90, s28, s18, $0xb8;
	[tilespmem:$0x1F600] =	vst v63  }
0x4c: {  	s30 =	sadd.s32 $0x16B80, s0  }
0x4d: {  	[spmem:s1] =	stream.indirect.scatter.add.f32 [tilespmem:s19], [sflag:$0x2], $0x90, s30, s18, $0xb8;
	[tilespmem:$0x1F600] =	vst v63  }
0x4e: {  	_ =	swait.ge [sflag:s20], $0x3F00  }
0x4f: {  	[sflag:s20] =	ssyncset.done $0x0  }
0x50: {  	[sflag:s20] =	ssyncadd.s32 $0xFFFFC100  }
0x51: {  	_ =	swait.ge [sflag:s22], $0x3F00  }
0x52: {  	[sflag:s22] =	ssyncset.done $0x0  }
0x53: {  	s31 =	sadd.s32 $0x168E0, s0;
	[sflag:s22] =	ssyncadd.s32 $0xFFFFC100  }
0x54: {  	[tilespmem:s19], [sflag:$0x1] =	stream.indirect.gather [hbm4b:s6+s18], $0x90, s31, s18, $0xb8;
	[tilespmem:$0x1F600] =	vst v63  }
0x55: {  	s29 =	sadd.s32 $0x16BF0, s0  }
0x56: {  	[spmem:s1] =	stream.indirect.scatter.add.f32 [tilespmem:s21], [sflag:$0x2], $0x90, s29, s18, $0xb8;
	[tilespmem:$0x1F600] =	vst v63  }
0x57: {  	_ =	swait.ge [sflag:s20], $0x3F00  }
0x58: {  	[sflag:s20] =	ssyncset.done $0x0  }
0x59: {  	[sflag:s20] =	ssyncadd.s32 $0xFFFFC100  }
0x5a: {  	_ =	swait.ge [sflag:s22], $0x3F00  }
0x5b: {  	[sflag:s22] =	ssyncset.done $0x0  }
0x5c: {  	s28 =	simm.s32 @!p0 $0x3;
	[sflag:s22] =	ssyncadd.s32 $0xFFFFC100  }
0x5d: {  	_ =	swait.ge @!p0 [sflag:s28], $0x1C0  }
0x5e: {  	[sflag:s28] =	ssyncset.done @!p0 $0x0  }
0x5f: {  	[sflag:s28] =	ssyncadd.s32 @!p0 $0xFFFFFE40  }
0x60: {  	_ =	swait.ge @!p0 [sflag:s28], $0x1C0  }
0x61: {  	[sflag:s28] =	ssyncset.done @!p0 $0x0  }
0x62: {  	s30 =	sadd.s32 $0x16950, s0;
	s29 =	sadd.s32 $0xE0, s0;
	[sflag:s28] =	ssyncadd.s32 @!p0 $0xFFFFFE40  }
0x63: {  	[tilespmem:s21], [sflag:$0x1] =	stream.indirect.gather [hbm4b:s6+s18], $0x90, s30, s18, $0xb8;
	[tilespmem:$0x1F600] =	vst v63  }
0x64: {  	s31 =	sadd.s32 $0x16B80, s29  }
0x65: {  	[spmem:s1] =	stream.indirect.scatter.add.f32 [tilespmem:s19], [sflag:$0x2], $0x90, s31, s18, $0xb8;
	[tilespmem:$0x1F600] =	vst v63  }
0x66: {  	_ =	swait.ge [sflag:s20], $0x3F00  }
0x67: {  	s26 =	smul.u32 @!p0 $0x700, s26;
	[sflag:s20] =	ssyncset.done $0x0  }
0x68: {  	[sflag:s20] =	ssyncadd.s32 $0xFFFFC100  }
0x69: {  	s26 =	sshrl.u32 @!p0 s26, $0x2;
	_ =	swait.ge [sflag:s22], $0x3F00  }
0x6a: {  	s26 =	sor.u32 @!p0 $0x16800, s26;
	[sflag:s22] =	ssyncset.done $0x0  }
0x6b: {  	s29 =	simm.s32 @!p0 $0x16F00;
	s28 =	simm.s32 @!p0 $0x70;
	[sflag:s22] =	ssyncadd.s32 $0xFFFFC100  }
0x6c: {  	[tilespmem:s29], [sflag:$0x1] =	stream.indirect.gather @!p0 [hbm4b:s6+s28], $0x90, s26, s28, $0xb8;
	[tilespmem:$0x1F600] =	vst v63  }
0x6d: {  	p0 =	slt.u32 s25, $0x17  }
.Ltmp5:
0x6e: {  	_ = 	snop;
	(pc) =	sbr.rel @!p0 .LBB2_10-.Ltmp5, $4  }
0x6f: {  	_ = 	snop  }
0x70: {  	s0 =	sadd.s32 $0x150, s0  }
0x71: {  	s0 =	sadd.s32 $0x16B80, s0  }
0x72: {  	[spmem:s1] =	stream.indirect.scatter.add.f32 [tilespmem:s21], [sflag:$0x2], $0x90, s0, s18, $0xb8;
	[tilespmem:$0x1F600] =	vst v63  }
.LBB2_6:
0x73: {  	p0 =	seq.s32 s25, $0x0  }
0x74: {  	p1 =	seq.s32 @!p0 s25, $0x16  }
0x75: {  	_ =	swait.ge [sflag:s20], $0x3F00;
	p1 =	por p0, !p1  }
.Ltmp6:
0x76: {  	[sflag:s20] =	ssyncset.done $0x0;
	(pc) =	sbr.rel @p1 .LBB2_8-.Ltmp6, $4  }
0x77: {  	s29 =	simm.s32 @!p0 $0x2;
	[sflag:s20] =	ssyncadd.s32 $0xFFFFC100  }
0x78: {  	_ =	swait.ge @!p0 [sflag:s29], $0x3F00  }
0x79: {  	s28 =	sand.u32 $0x1, s25;
	[sflag:s29] =	ssyncset.done @!p0 $0x0  }
0x7a: {  	s26 =	sxor.u32 $0x1, s28;
	[sflag:s29] =	ssyncadd.s32 @!p0 $0xFFFFC100  }
.Ltmp7:
0x7b: {  	(pc) =	sbr.rel .LBB2_9-.Ltmp7, $2  }
0x7c: {  	_ =	sdelay $0x2  }
0x7d: {  	s25 =	simm.s32 @!p0 $0x17;
	p0 =	por @!p0 $0x1, $0x1  }
.LBB2_11:
0x7e: {  	_ =	sfence.sel $0x180000  }
0x7f: {  	[bflag:$0x0] =	sbarrier.arrive $0xFFFF  }
0x80: {  	_ =	strace $0x90000047  }
0x81: {  	[bflag:$0x2] =	sbarrier.arrive $0xFFFF  }
0x82: {  	p0 =	sne.s32 s2, $0x0;
	s0 =	rddreg [dreg:$0x2]  }
0x83: {  	s0 =	sadd.s32 @!p0 $0x100000, s0  }
0x84: {  	[sflag:s0] =	ssyncadd.tile.s32 @!p0 $0x1;
	_ =	shalt  }
.Lfunc_end2:
_tile_overlayer_lowered:
.L_overlay_start_2:
0x85: {  	(tag) =	ssettag $0x2  }
0x86: {  	s0 =	rddreg [dreg:$0x0];
	s2 =	stileid.u32  }
0x87: {  	s1 =	rddreg [dreg:$0x1];
	p0 =	sne.s32 s2, $0x0  }
0x88: {  	s3 =	rddreg [dreg:$0x2];
	[bflag:$0x3] =	sbarrier.arrive $0xFFFF;
	s2 =	simm.s32 @!p0 $0x1C04  }
0x89: {  	[timem:s3], [sflag:s2] =	dma.local @!p0 [hbm:s0], s1  }
0x8a: {  	s0 =	simm.s32 @!p0 $0x4  }
0x8b: {  	_ =	swait.ge @!p0 [sflag:s0], s1  }
0x8c: {  	s1 =	ssub.s32 @!p0 $0x0, s1;
	[sflag:s0] =	ssyncset.done @!p0 $0x0  }
0x8d: {  	[sflag:s0] =	ssyncadd.s32 @!p0 s1  }
0x8e: {  	[bflag:$0x3] =	sbarrier.arrive $0xFFFF  }
0x8f: {  	_ =	shalt  }

// kernel: kernel.9.cloned.1.call-start
scs
__scs_entry_jumppad:
0x0: {  	(pc) =	sbr.rel $0x88, $3  }
0x1: {  	(tag) =	ssettag $0x0;
	lr =	simm.s32 $0x1  }
0x2: {  	[smem:$0x3F93] =	sst lr;
	_ =	strace $0xD0000000  }
0x3: {  	_ = 	snop  }
0x4: {  	_ = 	snop  }
0x5: {  	_ = 	snop  }
0x6: {  	_ = 	snop  }
0x7: {  	_ = 	snop  }
__scs_overlays_trampoline_lowered:
0x8: {  	[smem:$0x3FA2] =	sst s0  }
0x9: {  	[smem:$0x3FA3] =	sst s1  }
0xa: {  	[smem:$0x3FA4] =	sst s2  }
0xb: {  	[smem:$0x3FA5] =	sst s3  }
0xc: {  	[smem:$0x3FA6] =	sst s4  }
0xd: {  	[smem:$0x3FA7] =	sst s5  }
0xe: {  	[smem:$0x3FA8] =	sst s6  }
0xf: {  	[smem:$0x3FA9] =	sst s7  }
0x10: {  	[smem:$0x3FAA] =	sst s8  }
0x11: {  	[smem:$0x3FAB] =	sst s9;
	s0 =	simm.s32 @!p0 $0x0  }
0x12: {  	s1 =	sld [smem:$0x3F91];
	s0 =	simm.s32 @p0 $0x1  }
0x13: {  	[smem:$0x3FAC] =	sst s0;
	s0 =	simm.s32 @!p1 $0x0  }
0x14: {  	s2 =	sld [smem:$0x3F90];
	s0 =	simm.s32 @p1 $0x1  }
0x15: {  	[smem:$0x3FAD] =	sst s0;
	s0 =	simm.s32 @!p2 $0x0  }
0x16: {  	s3 =	sld [smem:$0x3FDB];
	s0 =	simm.s32 @p2 $0x1  }
0x17: {  	s4 =	simm.s32 $0x1BF5;
	[smem:$0x3FAF] =	sst s0  }
0x18: {  	s0 =	sld [smem:$0x3F92];
	_ =	swait.ge [sflag:s4], $0x0  }
0x19: {  	s7 =	sld [smem:$0x3F93]  }
0x1a: {  	s8 =	sadd.s32 $0xFFFFE003, lr  }
0x1b: {  	s9 =	sadd.s32 $0xFFFFFEF7, lr;
	s5 =	simm.s32 $0xFFFFFFFF;
	p2 =	slt.u32 s8, $0xFFFFF086  }
0x1c: {  	p1 =	slt.u32 s9, $0xF7A;
	s5 =	simm.s32 @!p2 $0x0  }
0x1d: {  	s5 =	simm.s32 @p1 $0x1;
	p0 =	seq.s32 s7, s2  }
0x1e: {  	s7 =	smul.u32 @!p0 $0xF7A, s2;
	p2 =	seq.s32 @!p0 s5, $0x0  }
0x1f: {  	s9 =	smul.u32 $0xF7A, s1;
	s8 =	simm.s32 @!p0 $0x1BF5;
	p2 =	por !p2, p0  }
0x20: {  	[sflag:s8] =	ssyncset.s32 @!p0 $0xFFFFF086;
	s6 =	sadd.s32 @!p0 s3, s7;
	s7 =	simm.s32 @!p0 $0x108  }
0x21: {  	s3 =	sadd.s32 s3, s9;
	s6 =	sadd.s32 @!p0 $0x88, s6;
	s7 =	simm.s32 @p2 $0x1082  }
0x22: {  	[simem:s7], [sflag:s8] =	dma.local @!p0 [hbm:s6], $0xF7A  }
0x23: {  	s9 =	sor.u32 $0xD0000000, s2;
	s6 =	simm.s32 $0x108;
	_ =	swait.ge @!p0 [sflag:s8], $0x0  }
0x24: {  	s3 =	sadd.s32 $0x88, s3;
	s6 =	simm.s32 @!p1 $0x1082;
	[sflag:s4] =	ssyncset.s32 $0xFFFFF086  }
0x25: {  	[simem:s6], [sflag:s4] =	dma.local [hbm:s3], $0xF7A  }
0x26: {  	[smem:$0x3F93] =	sst s1;
	(tag) =	ssettag s2;
	_ =	strace s9  }
0x27: {  	s1 =	sld [smem:$0x3FA3]  }
0x28: {  	s2 =	sld [smem:$0x3FA4]  }
0x29: {  	s4 =	sld [smem:$0x3FA6]  }
0x2a: {  	p0 =	seq.s32 s5, $0x0;
	s5 =	sld [smem:$0x3FA7]  }
0x2b: {  	s6 =	sld [smem:$0x3FA8]  }
0x2c: {  	s7 =	sld [smem:$0x3FA9]  }
0x2d: {  	s3 =	simm.s32 $0x108;
	s8 =	sld [smem:$0x3FAA]  }
0x2e: {  	s3 =	simm.s32 @!p0 $0x1082;
	s9 =	sld [smem:$0x3FAB]  }
0x2f: {  	lr =	sadd.s32 s0, s3;
	s0 =	sld [smem:$0x3FA2]  }
0x30: {  	s3 =	sld [smem:$0x3FA5]  }
0x31: {  	[smem:$0x3FAE] =	sst s10  }
0x32: {  	s10 =	sld [smem:$0x3FAC];
	_ =	sdelay $0x3  }
0x33: {  	p0 =	seq.s32 s10, $0x1;
	s10 =	sld [smem:$0x3FAE];
	_ =	sdelay $0x3  }
0x34: {  	[smem:$0x3FAE] =	sst s10  }
0x35: {  	s10 =	sld [smem:$0x3FAD];
	_ =	sdelay $0x3  }
0x36: {  	p1 =	seq.s32 s10, $0x1;
	s10 =	sld [smem:$0x3FAE];
	_ =	sdelay $0x3  }
0x37: {  	[smem:$0x3FAE] =	sst s10  }
0x38: {  	s10 =	sld [smem:$0x3FAF]  }
0x39: {  	_ = 	snop;
	(pc) =	sbr.ind lr, $3  }
0x3a: {  	_ = 	snop  }
0x3b: {  	_ = 	snop  }
0x3c: {  	p2 =	seq.s32 s10, $0x1;
	s10 =	sld [smem:$0x3FAE]  }
0x3d: {  	_ =	shalt  }
0x3e: {  	_ =	shalt  }
0x3f: {  	_ =	shalt  }
0x40: {  	_ =	shalt  }
0x41: {  	_ =	shalt  }
0x42: {  	_ =	shalt  }
0x43: {  	_ =	shalt  }
0x44: {  	_ =	shalt  }
0x45: {  	_ =	shalt  }
0x46: {  	_ =	shalt  }
0x47: {  	_ =	shalt  }
0x48: {  	_ =	shalt  }
0x49: {  	_ =	shalt  }
0x4a: {  	_ =	shalt  }
0x4b: {  	_ =	shalt  }
0x4c: {  	_ =	shalt  }
0x4d: {  	_ =	shalt  }
0x4e: {  	_ =	shalt  }
0x4f: {  	_ =	shalt  }
0x50: {  	_ =	shalt  }
0x51: {  	_ =	shalt  }
0x52: {  	_ =	shalt  }
0x53: {  	_ =	shalt  }
0x54: {  	_ =	shalt  }
0x55: {  	_ =	shalt  }
0x56: {  	_ =	shalt  }
0x57: {  	_ =	shalt  }
0x58: {  	_ =	shalt  }
0x59: {  	_ =	shalt  }
0x5a: {  	_ =	shalt  }
0x5b: {  	_ =	shalt  }
0x5c: {  	_ =	shalt  }
0x5d: {  	_ =	shalt  }
0x5e: {  	_ =	shalt  }
0x5f: {  	_ =	shalt  }
0x60: {  	_ =	shalt  }
0x61: {  	_ =	shalt  }
0x62: {  	_ =	shalt  }
0x63: {  	_ =	shalt  }
0x64: {  	_ =	shalt  }
0x65: {  	_ =	shalt  }
0x66: {  	_ =	shalt  }
0x67: {  	_ =	shalt  }
0x68: {  	_ =	shalt  }
0x69: {  	_ =	shalt  }
0x6a: {  	_ =	shalt  }
0x6b: {  	_ =	shalt  }
0x6c: {  	_ =	shalt  }
0x6d: {  	_ =	shalt  }
0x6e: {  	_ =	shalt  }
0x6f: {  	_ =	shalt  }
0x70: {  	_ =	shalt  }
0x71: {  	_ =	shalt  }
0x72: {  	_ =	shalt  }
0x73: {  	_ =	shalt  }
0x74: {  	_ =	shalt  }
0x75: {  	_ =	shalt  }
0x76: {  	_ =	shalt  }
0x77: {  	_ =	shalt  }
0x78: {  	_ =	shalt  }
0x79: {  	_ =	shalt  }
0x7a: {  	_ =	shalt  }
0x7b: {  	_ =	shalt  }
0x7c: {  	_ =	shalt  }
0x7d: {  	_ =	shalt  }
0x7e: {  	_ =	shalt  }
0x7f: {  	_ =	shalt  }
0x80: {  	_ =	shalt  }
0x81: {  	_ =	shalt  }
0x82: {  	_ =	shalt  }
0x83: {  	_ =	shalt  }
0x84: {  	_ =	shalt  }
0x85: {  	_ =	shalt  }
0x86: {  	_ =	shalt  }
0x87: {  	_ =	shalt  }
.Lfunc_end0:
.L_simem_size_0:
called_computation.1_lowered:
.L_overlay_start_0:
0x88: {  	s2 =	sld [smem:$0x3FD9]  }
0x89: {  	s3 =	sld [smem:$0x3FFE];
	_ =	sdelay $0x1  }
0x8a: {  	s1 =	srdreg.scid  }
0x8b: {  	s0 =	sand.u32 $0x1, s1  }
0x8c: {  	s16 =	sshll.u32 s0, $0xA;
	s2 =	sadd.s32 s3, s2  }
0x8d: {  	s2 =	sadd.s32 s2, s16  }
0x8e: {  	[smem:$0x3FBA] =	sst s2  }
0x8f: {  	_ = 	snop  }
0x90: {  	(tm) =	ssettm $0x1  }
0x91: {  	s17 =	sld [smem:$0x3FFB];
	_ =	sdelay $0x3  }
0x92: {  	_ =	strace s17  }
0x93: {  	s2 =	sld [smem:$0x3FFC];
	_ =	sdelay $0x3  }
0x94: {  	_ =	strace s2  }
0x95: {  	s2 =	sld [smem:$0x3FFD];
	_ =	sdelay $0x3  }
0x96: {  	_ =	strace s2  }
0x97: {  	_ =	strace $0x8FFFFFFF  }
0x98: {  	s18 =	sld [smem:$0x3FDB];
	_ =	sdelay $0x1  }
0x99: {  	s19 =	simm.s32 $_scs_section_size  }
0x9a: {  	s4 =	simm.s32 $_size__tile_overlayer_lowered;
	s5 =	simm.s32 $_tile_overlayer_lowered  }
0x9b: {  	s22 =	simm.s32 $0x1BFF;
	s21 =	sshll.u32 s5, $0x1;
	s2 =	sadd.s32 s19, s18  }
0x9c: {  	s6 =	simm.s32 $0x0;
	s20 =	sshll.u32 s4, $0x1;
	s4 =	sadd.s32 s21, s2  }
0x9d: {  	[timem:s6], [sflag:s22] =	dma.local [hbm:s4], s20  }
0x9e: {  	_ =	swait.ge [sflag:s22], s20  }
0x9f: {  	s3 =	ssub.s32 $0x0, s20;
	[sflag:s22] =	ssyncset.done $0x0  }
0xa0: {  	[sflag:s22] =	ssyncadd.s32 s3;
	_ =	sdelay $0x1  }
0xa1: {  	s23 =	simm.s32 $0x1B8B  }
0xa2: {  	_ =	swait.ge [sflag:s23], $0x1  }
0xa3: {  	[sflag:s23] =	ssyncset.done $0x0  }
0xa4: {  	s25 =	simm.s32 $0x1B8E;
	s24 =	sld [smem:$0x3FFE];
	[sflag:s23] =	ssyncadd.s32 $0xFFFFFFFF  }
0xa5: {  	s26 =	simm.s32 $execute0_lowered;
	[smem:$0x3FD2] =	sst s25  }
0xa6: {  	s4 =	sshll.u32 s26, $0x1;
	_ =	strace $0x80000049;
	[dreg:$0x1] =	wrdreg $0xFFFFFFFF  }
0xa7: {  	s28 =	simm.s32 $_size_execute0_lowered;
	s2 =	sadd.s32 s2, s4;
	[dreg:$0x0] =	wrdreg $0x0  }
0xa8: {  	s4 =	sshll.u32 s28, $0x1;
	[dreg:$0x2] =	wrdreg s2  }
0xa9: {  	[dreg:$0x3] =	wrdreg s4  }
0xaa: {  	[dreg:$0x4] =	wrdreg $0xC0  }
0xab: {  	_ =	task [dreg:s6], $0x5FFFF  }
0xac: {  	[dreg:$0x1] =	wrdreg $0xFFFFFFFF  }
0xad: {  	[dreg:$0x0] =	wrdreg $0x60  }
0xae: {  	[dreg:$0x2] =	wrdreg s24  }
0xaf: {  	[dreg:$0x3] =	wrdreg $0x0  }
0xb0: {  	[dreg:$0x4] =	wrdreg $0x9  }
0xb1: {  	_ =	task.clear_ibuf [dreg:s6], $0x5FFFF;
	_ =	strace $0x90000049  }
0xb2: {  	s29 =	simm.s32 $0x9;
	_ =	strace $0x8000004B  }
0xb3: {  	_ =	swait.ge [sflag:s29], $0x1  }
0xb4: {  	[sflag:s29] =	ssyncadd.s32 $0xFFFFFFFF  }
0xb5: {  	_ =	strace $0x9000004B  }
0xb6: {  	_ =	sfence  }
0xb7: {  	s30 =	sld [smem:$0x0];
	_ =	sdelay $0x2  }
0xb8: {  	s31 =	sshll.u32 s1, $0xD;
	s1 =	sshrl.u32 s1, $0x2  }
0xb9: {  	s3 =	sand.u32 $0x4000, s31;
	s1 =	sadd.s32 s1, s30  }
0xba: {  	s0 =	sor.u32 s3, s0;
	s1 =	sshll.u32 s1, $0x11  }
0xbb: {  	s0 =	sor.u32 s1, s0  }
0xbc: {  	s0 =	sadd.s32 $0x8F2B, s0  }
0xbd: {  	[sflag:s0] =	ssyncadd.remote.s32 $0x1  }
0xbe: {  	_ =	sfence.sel $0xFFFF  }
0xbf: {  	[dreg:$0x0] =	wrdreg $0xFFFFFFFF;
	(pc) =	sbr.abs _section_cstart, $3  }
0xc0: {  	[dreg:$0x1] =	wrdreg $0xFFFFFFFF  }
0xc1: {  	_ =	task.clear_ibuf [dreg:s6], $0x2FFFF;
	_ =	strace $0x9FFFFFFF  }
0xc2: {  	(tm) =	ssettm $0x7FFFFFFF  }
0xc3: {  	_ =	shalt  }
tec
execute0_lowered:
.L_overlay_start_1:
0x0: {  	(tag) =	ssettag $0x1  }
0x1: {  	s7 =	rddreg [dreg:$0x0]  }
0x2: {  	s1 =	rddreg [dreg:$0x1]  }
0x3: {  	s3 =	simm.s32 $0x0;
	s2 =	srdreg.scid;
	s16 =	simm.s32 $0x14380  }
0x4: {  	s17 =	simm.s32 $0x3;
	s18 =	simm.s32 $0x70;
	s19 =	simm.s32 $0x14700  }
0x5: {  	s20 =	simm.s32 $0x1;
	s21 =	simm.s32 $0x17F00;
	s22 =	simm.s32 $0x2  }
0x6: {  	s24 =	simm.s32 $0x0;
	[smem:$0x7FF] =	sst s3;
	s8 =	sand.u32 $0x1, s2  }
0x7: {  	s2 =	stileid.u32;
	s4 =	sadd.s32 $0x2EA00, s7;
	s9 =	smul.u32 $0x140000, s8  }
0x8: {  	s5 =	sadd.s32 $0x38C00, s7;
	s12 =	smul.u32 $0x14000, s2;
	s10 =	sshll.u32 s8, $0x4  }
0x9: {  	s11 =	smul.u32 $0x50000, s2;
	s8 =	ssub.s32 $0x2, s8;
	s10 =	sor.u32 s2, s10  }
0xa: {  	s6 =	sadd.s32 $0x2A00, s7;
	s13 =	sshrl.u32 s8, $0x1;
	s14 =	smul.u32 $0x508, s10  }
0xb: {  	_ =	strace $0x8000004A;
	s13 =	ssub.s32 s8, s13;
	s8 =	smul.u32 $0x5C, s10  }
.Ltmp0:
0xc: {  	s9 =	sadd.s32 s12, s9;
	s11 =	sshrl.u32 s11, $0x2;
	(pc) =	sbr.rel .LBB2_1-.Ltmp0, $4  }
0xd: {  	s23 =	sadd.s32 s12, s1;
	s9 =	sshrl.u32 s9, $0x3;
	s12 =	smax.u32 s13, $0x1  }
0xe: {  	s13 =	simm.s32 $0x1B700;
	s23 =	sshrl.u32 s23, $0x3;
	s15 =	sadd.s32 s9, s7  }
0xf: {  	s7 =	sadd.s32 s11, s1;
	s9 =	sadd.s32 s4, s14;
	s10 =	sadd.s32 s5, s14  }
0x10: {  	v0 =	vimm.f32 $0.0e+00;
	s14 =	simm.s32 $0x4;
	s11 =	sadd.s32 $0x42E00, s15;
	s15 =	simm.s32 $0x14000  }
.LBB2_10:
0x11: {  	_ =	swait.ge [sflag:s22], $0x3800  }
0x12: {  	s24 =	sadd.s32 $0x1, s24;
	[sflag:s22] =	ssyncset.done $0x0  }
0x13: {  	s0 =	sshll.u32 s2, $0x6;
	p0 =	sne.s32 s24, s12;
	[sflag:s22] =	ssyncadd.s32 $0xFFFFC800  }
.Ltmp1:
0x14: {  	s0 =	sor.u32 $0x1C04, s0;
	[bflag:$0x0] =	sbarrier.arrive $0xFFFF;
	(pc) =	sbr.rel @!p0 .LBB2_11-.Ltmp1, $4  }
0x15: {  	[hbm:s11], [sflag:s0] =	dma.local [spmem:s23], $0x2800  }
0x16: {  	_ =	swait.ge [sflag:s14], $0x2800  }
0x17: {  	[sflag:s14] =	ssyncset.done $0x0  }
0x18: {  	[sflag:s14] =	ssyncadd.s32 $0xFFFFD800  }
.LBB2_1:
0x19: {  	s25 =	simm.s32 $0x0;
	s26 =	simm.s32 $0x200  }
.LBB2_2:
0x1a: {  	p0 =	sne.s32 s26, $0x1E00;
	[tilespmem:s25+$0x1B770] =	vst v0  }
0x1b: {  	[tilespmem:s25+$0x1B700] =	vst v0  }
0x1c: {  	[tilespmem:s25+$0x1B710] =	vst v0  }
.Ltmp2:
0x1d: {  	[tilespmem:s25+$0x1B720] =	vst v0;
	(pc) =	sbr.rel @p0 .LBB2_2-.Ltmp2, $4  }
0x1e: {  	[tilespmem:s25+$0x1B730] =	vst v0  }
0x1f: {  	[tilespmem:s25+$0x1B740] =	vst v0  }
0x20: {  	[tilespmem:s25+$0x1B750] =	vst v0  }
0x21: {  	[tilespmem:s25+$0x1B760] =	vst v0;
	s25 =	sshra.s32 s26, $0x2;
	s26 =	sadd.s32 $0x200, s26  }
0x22: {  	[tilespmem:s25+$0x1B770] =	vst v0  }
0x23: {  	[tilespmem:s25+$0x1B700] =	vst v0  }
0x24: {  	[tilespmem:s25+$0x1B710] =	vst v0  }
0x25: {  	[tilespmem:s25+$0x1B720] =	vst v0  }
0x26: {  	[tilespmem:s25+$0x1B730] =	vst v0  }
0x27: {  	[tilespmem:s25+$0x1B740] =	vst v0  }
0x28: {  	[tilespmem:s25+$0x1B750] =	vst v0  }
0x29: {  	[tilespmem:s25+$0x1B760] =	vst v0;
	s31 =	sadd.s32 $0x0, s7  }
0x2a: {  	[spmem:s31] =	stream.linear.scatter [tilespmem:s13], [sflag:$0x4], $0x800, $0x38;
	[tilespmem:$0x1BF00] =	vst v63  }
0x2b: {  	s25 =	simm.s32 $0x2000;
	_ =	swait.ge [sflag:s14], $0x800  }
.LBB2_4:
0x2c: {  	s26 =	sshra.s32 s25, $0x2;
	[sflag:s14] =	ssyncset.done $0x0;
	p0 =	sne.s32 s25, $0x4E000  }
.Ltmp3:
0x2d: {  	s26 =	sadd.s32 s26, s7;
	[sflag:s14] =	ssyncadd.s32 $0xFFFFF800;
	(pc) =	sbr.rel @p0 .LBB2_4-.Ltmp3, $3  }
0x2e: {  	[spmem:s26] =	stream.linear.scatter [tilespmem:s13], [sflag:$0x4], $0x800, $0x38;
	[tilespmem:$0x1BF00] =	vst v63  }
0x2f: {  	s25 =	sadd.s32 $0x2000, s25;
	_ =	sdelay $0x1  }
0x30: {  	_ =	swait.ge [sflag:s14], $0x800  }
0x31: {  	[sflag:s14] =	ssyncset.done $0x0  }
0x32: {  	[sflag:s14] =	ssyncadd.s32 $0xFFFFF800  }
0x33: {  	s25 =	simm.s32 $0x0;
	[bflag:$0x0] =	sbarrier.arrive $0xFFFF  }
0x34: {  	[tilespmem:s15], [sflag:$0x3] =	stream.linear.gather [hbm4b:s9+s25], $0x1C0, $0x38;
	[tilespmem:$0x1BF00] =	vst v63  }
0x35: {  	_ = 	snop  }
0x36: {  	[tilespmem:s16], [sflag:$0x3] =	stream.linear.gather [hbm4b:s10+s25], $0x1C0, $0x38;
	[tilespmem:$0x1BF00] =	vst v63  }
0x37: {  	_ =	swait.ge [sflag:s17], $0x1C0  }
0x38: {  	[sflag:s17] =	ssyncset.done $0x0  }
.Ltmp4:
0x39: {  	[sflag:s17] =	ssyncadd.s32 $0xFFFFFE40;
	(pc) =	sbr.rel .LBB2_6-.Ltmp4, $4  }
0x3a: {  	_ =	swait.ge [sflag:s17], $0x1C0  }
0x3b: {  	[sflag:s17] =	ssyncset.done $0x0  }
0x3c: {  	[sflag:s17] =	ssyncadd.s32 $0xFFFFFE40  }
0x3d: {  	[tilespmem:s19], [sflag:$0x1] =	stream.indirect.gather [hbm4b:s6+s18], $0x80, s15, s18, $0xb8;
	[tilespmem:$0x1BF00] =	vst v63  }
.LBB2_8:
0x3e: {  	s25 =	sadd.s32 @!p0 $0x1, s25  }
0x3f: {  	s25 =	simm.s32 @p0 $0x1  }
0x40: {  	s29 =	sshll.u32 s25, $0x2  }
0x41: {  	s30 =	smul.u32 $0x1C0, s26;
	s29 =	sadd.s32 s8, s29  }
0x42: {  	s29 =	smul.u32 $0xE, s29;
	_ =	sdelay $0x1  }
0x43: {  	s31 =	sor.u32 $0x14000, s30;
	s0 =	sadd.s32 s4, s29  }
0x44: {  	[tilespmem:s31], [sflag:$0x3] =	stream.linear.gather [hbm4b:s0+s3], $0x1C0, $0x38;
	[tilespmem:$0x1BF00] =	vst v63  }
0x45: {  	p0 =	por $0x0, $0x0;
	s29 =	sadd.s32 s5, s29;
	s31 =	sadd.s32 $0x14380, s30  }
0x46: {  	[tilespmem:s31], [sflag:$0x3] =	stream.linear.gather [hbm4b:s29+s3], $0x1C0, $0x38;
	[tilespmem:$0x1BF00] =	vst v63  }
.LBB2_9:
0x47: {  	s0 =	smul.u32 $0x1C0, s28;
	_ =	sdelay $0x1  }
0x48: {  	s28 =	sadd.s32 $0x14070, s0  }
0x49: {  	[tilespmem:s21], [sflag:$0x1] =	stream.indirect.gather [hbm4b:s6+s18], $0x80, s28, s18, $0xb8;
	[tilespmem:$0x1BF00] =	vst v63  }
0x4a: {  	s30 =	sadd.s32 $0x14380, s0  }
0x4b: {  	[spmem:s1] =	stream.indirect.scatter.add.f32 [tilespmem:s19], [sflag:$0x2], $0x80, s30, s18, $0xb8;
	[tilespmem:$0x1BF00] =	vst v63  }
0x4c: {  	_ =	swait.ge [sflag:s20], $0x3800  }
0x4d: {  	[sflag:s20] =	ssyncset.done $0x0  }
0x4e: {  	[sflag:s20] =	ssyncadd.s32 $0xFFFFC800  }
0x4f: {  	_ =	swait.ge [sflag:s22], $0x3800  }
0x50: {  	[sflag:s22] =	ssyncset.done $0x0  }
0x51: {  	s31 =	sadd.s32 $0x140E0, s0;
	[sflag:s22] =	ssyncadd.s32 $0xFFFFC800  }
0x52: {  	[tilespmem:s19], [sflag:$0x1] =	stream.indirect.gather [hbm4b:s6+s18], $0x80, s31, s18, $0xb8;
	[tilespmem:$0x1BF00] =	vst v63  }
0x53: {  	s29 =	sadd.s32 $0x143F0, s0  }
0x54: {  	[spmem:s1] =	stream.indirect.scatter.add.f32 [tilespmem:s21], [sflag:$0x2], $0x80, s29, s18, $0xb8;
	[tilespmem:$0x1BF00] =	vst v63  }
0x55: {  	_ =	swait.ge [sflag:s20], $0x3800  }
0x56: {  	[sflag:s20] =	ssyncset.done $0x0  }
0x57: {  	[sflag:s20] =	ssyncadd.s32 $0xFFFFC800  }
0x58: {  	_ =	swait.ge [sflag:s22], $0x3800  }
0x59: {  	[sflag:s22] =	ssyncset.done $0x0  }
0x5a: {  	s28 =	simm.s32 @!p0 $0x3;
	[sflag:s22] =	ssyncadd.s32 $0xFFFFC800  }
0x5b: {  	_ =	swait.ge @!p0 [sflag:s28], $0x1C0  }
0x5c: {  	[sflag:s28] =	ssyncset.done @!p0 $0x0  }
0x5d: {  	[sflag:s28] =	ssyncadd.s32 @!p0 $0xFFFFFE40  }
0x5e: {  	_ =	swait.ge @!p0 [sflag:s28], $0x1C0  }
0x5f: {  	[sflag:s28] =	ssyncset.done @!p0 $0x0  }
0x60: {  	s30 =	sadd.s32 $0x14150, s0;
	s29 =	sadd.s32 $0xE0, s0;
	[sflag:s28] =	ssyncadd.s32 @!p0 $0xFFFFFE40  }
0x61: {  	[tilespmem:s21], [sflag:$0x1] =	stream.indirect.gather [hbm4b:s6+s18], $0x80, s30, s18, $0xb8;
	[tilespmem:$0x1BF00] =	vst v63  }
0x62: {  	s31 =	sadd.s32 $0x14380, s29  }
0x63: {  	[spmem:s1] =	stream.indirect.scatter.add.f32 [tilespmem:s19], [sflag:$0x2], $0x80, s31, s18, $0xb8;
	[tilespmem:$0x1BF00] =	vst v63  }
0x64: {  	_ =	swait.ge [sflag:s20], $0x3800  }
0x65: {  	s26 =	smul.u32 @!p0 $0x700, s26;
	[sflag:s20] =	ssyncset.done $0x0  }
0x66: {  	[sflag:s20] =	ssyncadd.s32 $0xFFFFC800  }
0x67: {  	s26 =	sshrl.u32 @!p0 s26, $0x2;
	_ =	swait.ge [sflag:s22], $0x3800  }
0x68: {  	s26 =	sor.u32 @!p0 $0x14000, s26;
	[sflag:s22] =	ssyncset.done $0x0  }
0x69: {  	s29 =	simm.s32 @!p0 $0x14700;
	s28 =	simm.s32 @!p0 $0x70;
	[sflag:s22] =	ssyncadd.s32 $0xFFFFC800  }
0x6a: {  	[tilespmem:s29], [sflag:$0x1] =	stream.indirect.gather @!p0 [hbm4b:s6+s28], $0x80, s26, s28, $0xb8;
	[tilespmem:$0x1BF00] =	vst v63  }
0x6b: {  	p0 =	slt.u32 s25, $0x17  }
.Ltmp5:
0x6c: {  	_ = 	snop;
	(pc) =	sbr.rel @!p0 .LBB2_10-.Ltmp5, $4  }
0x6d: {  	_ = 	snop  }
0x6e: {  	s0 =	sadd.s32 $0x150, s0  }
0x6f: {  	s0 =	sadd.s32 $0x14380, s0  }
0x70: {  	[spmem:s1] =	stream.indirect.scatter.add.f32 [tilespmem:s21], [sflag:$0x2], $0x80, s0, s18, $0xb8;
	[tilespmem:$0x1BF00] =	vst v63  }
.LBB2_6:
0x71: {  	p0 =	seq.s32 s25, $0x0  }
0x72: {  	p1 =	seq.s32 @!p0 s25, $0x16  }
0x73: {  	_ =	swait.ge [sflag:s20], $0x3800;
	p1 =	por p0, !p1  }
.Ltmp6:
0x74: {  	[sflag:s20] =	ssyncset.done $0x0;
	(pc) =	sbr.rel @p1 .LBB2_8-.Ltmp6, $4  }
0x75: {  	s29 =	simm.s32 @!p0 $0x2;
	[sflag:s20] =	ssyncadd.s32 $0xFFFFC800  }
0x76: {  	_ =	swait.ge @!p0 [sflag:s29], $0x3800  }
0x77: {  	s28 =	sand.u32 $0x1, s25;
	[sflag:s29] =	ssyncset.done @!p0 $0x0  }
0x78: {  	s26 =	sxor.u32 $0x1, s28;
	[sflag:s29] =	ssyncadd.s32 @!p0 $0xFFFFC800  }
.Ltmp7:
0x79: {  	(pc) =	sbr.rel .LBB2_9-.Ltmp7, $2  }
0x7a: {  	_ =	sdelay $0x2  }
0x7b: {  	s25 =	simm.s32 @!p0 $0x17;
	p0 =	por @!p0 $0x1, $0x1  }
.LBB2_11:
0x7c: {  	_ =	sfence.sel $0x180000  }
0x7d: {  	[bflag:$0x0] =	sbarrier.arrive $0xFFFF  }
0x7e: {  	_ =	strace $0x9000004A  }
0x7f: {  	[bflag:$0x2] =	sbarrier.arrive $0xFFFF  }
0x80: {  	p0 =	sne.s32 s2, $0x0;
	s0 =	rddreg [dreg:$0x2]  }
0x81: {  	s0 =	sadd.s32 @!p0 $0x100000, s0  }
0x82: {  	[sflag:s0] =	ssyncadd.tile.s32 @!p0 $0x1;
	_ =	shalt  }
.Lfunc_end2:
_tile_overlayer_lowered:
.L_overlay_start_2:
0x83: {  	(tag) =	ssettag $0x2  }
0x84: {  	s0 =	rddreg [dreg:$0x0];
	s2 =	stileid.u32  }
0x85: {  	s1 =	rddreg [dreg:$0x1];
	p0 =	sne.s32 s2, $0x0  }
0x86: {  	s3 =	rddreg [dreg:$0x2];
	[bflag:$0x3] =	sbarrier.arrive $0xFFFF;
	s2 =	simm.s32 @!p0 $0x1C04  }
0x87: {  	[timem:s3], [sflag:s2] =	dma.local @!p0 [hbm:s0], s1  }
0x88: {  	s0 =	simm.s32 @!p0 $0x4  }
0x89: {  	_ =	swait.ge @!p0 [sflag:s0], s1  }
0x8a: {  	s1 =	ssub.s32 @!p0 $0x0, s1;
	[sflag:s0] =	ssyncset.done @!p0 $0x0  }
0x8b: {  	[sflag:s0] =	ssyncadd.s32 @!p0 s1  }
0x8c: {  	[bflag:$0x3] =	sbarrier.arrive $0xFFFF  }
0x8d: {  	_ =	shalt  }

</sc_bundles>
